<compile_context>
chip_gen: v7x
topology: tpu7x:2x2x1
jax: 0.10.2.dev20260603
libtpu: 0.0.44.dev20260713+nightly
codegen_flags: <defaults>
</compile_context>

<pallas_src>
import functools

import jax
import jax.numpy as jnp
from jax import lax
from jax.experimental import pallas as pl
from jax.experimental.pallas import tpu as pltpu
from jax.experimental.pallas import tpu_sc as plsc

_NC, _NS = 2, 16
_NW = _NC * _NS
_CW = 128
_D = 256
_NB = 8
_WIN = 320
_BN = 400

_NEG = float('-inf')


def _relu(v):
    return jnp.maximum(v, 0.0)


def _dot(a, b):
    return jnp.dot(a, b, preferred_element_type=jnp.float32)


def _node_pre_body(x_ref, sem_ref, pos_ref,
                   wi1, bi1, wi2, bi2, wi3, bi3,
                   wah, was, ba, wbh, wbs, wch, wcs, bc, wr,
                   a_ref, tbj_ref, c_ref, cs_ref):
    x = x_ref[...]
    s = sem_ref[...]
    p = pos_ref[...]
    h = _relu(_dot(x, wi1[...]) + bi1[...])
    h = _relu(_dot(h, wi2[...]) + bi2[...])
    h = _dot(h, wi3[...]) + bi3[...]
    b = _dot(h, wbh[...]) + _dot(s, wbs[...])
    c_tab = _dot(h, wch[...]) + _dot(s, wcs[...]) + bc[...]
    xi, yi = p[:, 0:1], p[:, 1:2]
    hx, hy = p[:, 2:3], p[:, 3:4]
    r = jnp.sqrt(hx * hx + hy * hy)
    ok = r > 0.0
    cc = jnp.where(ok, hx / r, 1.0)
    ss = jnp.where(ok, hy / r, 0.0)
    wrv = wr[...]
    w0, w1 = wrv[0:1, :], wrv[1:2, :]
    a = (_dot(h, wah[...]) + _dot(s, was[...]) + ba[...]
         - cc * (xi * w0 + yi * w1) - ss * (yi * w0 - xi * w1))
    z = jnp.zeros((x.shape[0], _D - 132), jnp.float32)
    a_ref[...] = a
    tbj_ref[...] = jnp.concatenate([b, p, z], axis=1)
    c_ref[...] = c_tab
    cs_ref[...] = jnp.concatenate([cc, ss], axis=1)


def _node_pre(x, sem, pos4, ws, n_pad):
    grid = n_pad // _BN
    wspecs = [pl.BlockSpec(w.shape, lambda i: (0, 0)) for w in ws]
    return pl.pallas_call(
        _node_pre_body,
        grid=(grid,),
        in_specs=[
            pl.BlockSpec((_BN, 128), lambda i: (i, 0)),
            pl.BlockSpec((_BN, 16), lambda i: (i, 0)),
            pl.BlockSpec((_BN, 4), lambda i: (i, 0)),
        ] + wspecs,
        out_specs=[
            pl.BlockSpec((_BN, 128), lambda i: (i, 0)),
            pl.BlockSpec((_BN, _D), lambda i: (i, 0)),
            pl.BlockSpec((_BN, 128), lambda i: (i, 0)),
            pl.BlockSpec((_BN, 2), lambda i: (i, 0)),
        ],
        out_shape=[
            jax.ShapeDtypeStruct((n_pad, 128), jnp.float32),
            jax.ShapeDtypeStruct((n_pad, _D), jnp.float32),
            jax.ShapeDtypeStruct((n_pad, 128), jnp.float32),
            jax.ShapeDtypeStruct((n_pad, 2), jnp.float32),
        ],
    )(x, sem, pos4, *ws)


def _sc_gather(tab, idx, e_pad):
    per_tile = e_pad // _NW
    ch = per_tile // _CW
    mesh = plsc.VectorSubcoreMesh(core_axis_name="c", subcore_axis_name="s")

    def body(tab_ref, idx_ref, gj_ref, idx_v, rows0, rows1, sem0):
        wid = lax.axis_index("s") * _NC + lax.axis_index("c")
        pltpu.sync_copy(idx_ref.at[wid], idx_v)

        def chunk(j, carry):
            cp = pltpu.async_copy(tab_ref.at[idx_v.at[j]], rows0, sem0)
            cp.wait()
            base = wid * per_tile + j * _CW
            pltpu.sync_copy(rows0, gj_ref.at[pl.ds(base, _CW)])
            return carry

        lax.fori_loop(0, ch, chunk, 0)

    run = pl.kernel(
        body,
        out_type=jax.ShapeDtypeStruct((e_pad, _D), jnp.float32),
        mesh=mesh,
        scratch_types=[
            pltpu.VMEM((ch, _CW), jnp.int32),
            pltpu.VMEM((_CW, _D), jnp.float32),
            pltpu.VMEM((_CW, _D), jnp.float32),
            pltpu.SemaphoreType.DMA,
        ],
    )
    return run(tab, idx.reshape(_NW, ch, _CW))


def _win_start(rp_ref, gg):
    return (rp_ref[gg * _NB] // 8) * 8


def _edge_chunk(buf, off, rp_ref, n0, base, a_blk, cs_blk,
                wp, wq, w2, b2, w3, b3, accs):
    rows = lax.broadcasted_iota(jnp.int32, (_WIN, 1), 0)
    ge = rows + base
    masks = [(ge >= rp_ref[n0 + i]) & (ge < rp_ref[n0 + i + 1])
             for i in range(_NB)]
    onehot = jnp.concatenate(
        [m.astype(jnp.float32) for m in masks], axis=1)
    bj = buf[pl.ds(off, _WIN), :128]
    pj = buf[pl.ds(off, _WIN), 128:132]
    arow = _dot(onehot, a_blk)
    csv = _dot(onehot, cs_blk)
    pre = (arow + bj
           + csv[:, 0:1] * _dot(pj, wp[...])
           + csv[:, 1:2] * _dot(pj, wq[...]))
    h1 = _relu(pre).astype(jnp.bfloat16)
    h2 = _relu(_dot(h1, w2[...]) + b2[...]).astype(jnp.bfloat16)
    msg = _dot(h2, w3[...]) + b3[...]
    out = []
    for i in range(_NB):
        vi = jnp.max(jnp.where(masks[i], msg, _NEG), axis=0, keepdims=True)
        out.append(jnp.maximum(accs[i], vi))
    return tuple(out)


def _edge_body(rp_ref, gj_ref, a_ref, cs_ref, wp, wq, w2, b2, w3, b3,
               out_ref, buf, sems, xbuf, xsem):
    g = pl.program_id(0)
    ng = pl.num_programs(0)
    n0 = g * _NB
    slot = lax.rem(g, 2)
    nslot = lax.rem(g + 1, 2)
    astart = _win_start(rp_ref, g)

    @pl.when(g == 0)
    def _():
        pltpu.make_async_copy(
            gj_ref.at[pl.ds(astart, _WIN)],
            buf.at[pl.ds(0, _WIN)], sems.at[0]).start()

    @pl.when(g + 1 < ng)
    def _():
        pltpu.make_async_copy(
            gj_ref.at[pl.ds(_win_start(rp_ref, g + 1), _WIN)],
            buf.at[pl.ds(nslot * _WIN, _WIN)], sems.at[nslot]).start()

    pltpu.make_async_copy(
        gj_ref.at[pl.ds(astart, _WIN)],
        buf.at[pl.ds(slot * _WIN, _WIN)], sems.at[slot]).wait()

    a_blk = a_ref[...]
    cs_blk = cs_ref[...]
    end = rp_ref[n0 + _NB]

    acc0 = tuple(jnp.full((1, 128), _NEG, jnp.float32) for _ in range(_NB))
    accs = _edge_chunk(buf, slot * _WIN, rp_ref, n0, astart,
                       a_blk, cs_blk, wp, wq, w2, b2, w3, b3, acc0)

    nx = lax.div(jnp.maximum(end - astart - _WIN, 0) + (_WIN - 1), _WIN)

    def xloop(k, accs):
        base = astart + (k + 1) * _WIN
        cp = pltpu.make_async_copy(gj_ref.at[pl.ds(base, _WIN)], xbuf, xsem)
        cp.start()
        cp.wait()
        return _edge_chunk(xbuf, 0, rp_ref, n0, base,
                           a_blk, cs_blk, wp, wq, w2, b2, w3, b3, accs)

    accs = lax.fori_loop(0, nx, xloop, accs)
    acc = jnp.concatenate(accs, axis=0)
    out_ref[...] = jnp.where(jnp.isneginf(acc), 0.0, acc)


def _edge_stage(row_ptr, gj, a_tab, cs, wp, wq, w2, b2, w3, b3, n_pad):
    grid = n_pad // _NB
    wnames = [wp, wq, w2, b2, w3, b3]
    wspecs = [pl.BlockSpec(w.shape, lambda g, rp: (0, 0)) for w in wnames]
    return pl.pallas_call(
        _edge_body,
        grid_spec=pltpu.PrefetchScalarGridSpec(
            num_scalar_prefetch=1,
            grid=(grid,),
            in_specs=[
                pl.BlockSpec(memory_space=pl.ANY),
                pl.BlockSpec((_NB, 128), lambda g, rp: (g, 0)),
                pl.BlockSpec((_NB, 2), lambda g, rp: (g, 0)),
            ] + wspecs,
            out_specs=pl.BlockSpec((_NB, 128), lambda g, rp: (g, 0)),
            scratch_shapes=[
                pltpu.VMEM((2 * _WIN, _D), jnp.float32),
                pltpu.SemaphoreType.DMA((2,)),
                pltpu.VMEM((_WIN, _D), jnp.float32),
                pltpu.SemaphoreType.DMA,
            ],
        ),
        out_shape=jax.ShapeDtypeStruct((n_pad, 128), jnp.float32),
    )(row_ptr, gj, a_tab, cs, *wnames)


def _node_post_body(aggr_ref, c_ref, wua, wu2, bu2,
                    wo1, bo1, wo2, bo2, wo3, bo3, out_ref):
    hu1 = _relu(c_ref[...] + _dot(aggr_ref[...], wua[...]))
    hu2 = _dot(hu1, wu2[...]) + bu2[...]
    o = _relu(_dot(hu2, wo1[...]) + bo1[...])
    o = _relu(_dot(o, wo2[...]) + bo2[...])
    out_ref[...] = _dot(o, wo3[...]) + bo3[...]


def _node_post(aggr, c, ws, n_pad):
    grid = n_pad // _BN
    wspecs = [pl.BlockSpec(w.shape, lambda i: (0, 0)) for w in ws]
    return pl.pallas_call(
        _node_post_body,
        grid=(grid,),
        in_specs=[
            pl.BlockSpec((_BN, 128), lambda i: (i, 0)),
            pl.BlockSpec((_BN, 128), lambda i: (i, 0)),
        ] + wspecs,
        out_specs=pl.BlockSpec((_BN, 128), lambda i: (i, 0)),
        out_shape=jax.ShapeDtypeStruct((n_pad, 128), jnp.float32),
    )(aggr, c, *ws)


def kernel(x, edge_index, pos, sem, params):
    n = x.shape[0]
    e = edge_index.shape[1]
    n_pad = ((n + _BN - 1) // _BN) * _BN
    e_pad = ((e + _NW * _CW - 1) // (_NW * _CW)) * (_NW * _CW)

    (wi1, bi1), (wi2, bi2), (wi3, bi3) = params['mlp_in']
    (we1, be1), (we2, be2), (we3, be3) = params['edge_mlp']
    (wu1, bu1), (wu2, bu2) = params['update_mlp']
    (wo1, bo1), (wo2, bo2), (wo3, bo3) = params['mlp_out']

    row2 = lambda v: v.reshape(1, -1)
    wah, wbh = we1[0:128], we1[128:256]
    was, wbs = we1[256:272], we1[272:288]
    wrel = we1[288:292]
    w0, w1, w2r, w3r = (wrel[0:1], wrel[1:2], wrel[2:3], wrel[3:4])
    wp = jnp.concatenate([w0, w1, w2r, w3r], axis=0)
    wq = jnp.concatenate([-w1, w0, -w3r, w2r], axis=0)
    wch, wua, wcs = wu1[0:128], wu1[128:256], wu1[256:272]

    if n_pad == n:
        xp, semp, posp = x, sem, pos
    else:
        xp = jnp.zeros((n_pad, 128), jnp.float32).at[:n].set(x)
        semp = jnp.zeros((n_pad, 16), jnp.float32).at[:n].set(sem)
        posp = jnp.zeros((n_pad, 4), jnp.float32).at[:n].set(pos)

    ws1 = [wi1, row2(bi1), wi2, row2(bi2), wi3, row2(bi3),
           wah, was, row2(be1), wbh, wbs, wch, wcs, row2(bu1), wrel]
    a_tab, tbj, c_tab, cs = _node_pre(xp, semp, posp, ws1, n_pad)

    sdst, ssrc = lax.sort_key_val(edge_index[1], edge_index[0])
    pad = e_pad - e
    sdst_p = jnp.concatenate([sdst, jnp.full((pad,), n_pad, jnp.int32)])
    ssrc_p = jnp.concatenate([ssrc, jnp.zeros((pad,), jnp.int32)])
    row_ptr = jnp.searchsorted(sdst_p, jnp.arange(n_pad + 1),
                               side='left').astype(jnp.int32)

    gj = _sc_gather(tbj, ssrc_p, e_pad)

    aggr = _edge_stage(row_ptr, gj, a_tab, cs, wp, wq,
                       we2.astype(jnp.bfloat16), row2(be2),
                       we3.astype(jnp.bfloat16), row2(be3), n_pad)

    ws4 = [wua, wu2, row2(bu2), wo1, row2(bo1), wo2, row2(bo2),
           wo3, row2(bo3)]
    out = _node_post(aggr, c_tab, ws4, n_pad)
    return out[:n] if n_pad != n else out

# --- scband reference (transcript-rebuilt; emitter-appended) ---
"""Pipeline reference for scband-scene-interaction-net-51608327028955 (READ-ONLY COPY).

The authoritative reference and input builder live on the scoring server;
editing this copy changes nothing except your own understanding.
"""

import jax, jax.numpy as jnp
import numpy as np


def _mlp(x, layers):
    n = len(layers)
    for i, (W, b) in enumerate(layers):
        x = x @ W + b
        if i < n - 1:
            x = jax.nn.relu(x)
    return x


def transform2frame(frame, pts):
    # frame: (E, 4) with (x, y, hx, hy); pts: (E, 1, 4)
    theta = jnp.arctan2(frame[:, 3], frame[:, 2])
    c = jnp.cos(theta)[:, None]
    s = jnp.sin(theta)[:, None]
    dx = pts[:, :, 0] - frame[:, None, 0]
    dy = pts[:, :, 1] - frame[:, None, 1]
    lx = c * dx + s * dy
    ly = -s * dx + c * dy
    hx = c * pts[:, :, 2] + s * pts[:, :, 3]
    hy = -s * pts[:, :, 2] + c * pts[:, :, 3]
    return jnp.stack([lx, ly, hx, hy], axis=-1)


def _lin(k, din, dout):
    kw, kb = jax.random.split(k)
    W = jax.random.normal(kw, (din, dout), dtype=jnp.float32) / np.sqrt(din)
    b = jnp.zeros((dout,), dtype=jnp.float32)
    return (W, b)


def setup_inputs(seed: int = 0) -> dict:
    key = jax.random.key(seed)
    ks = jax.random.split(key, 20)
    N, E = 10000, 320000
    d_node, d_sem, d_pos, d_msg, d_out, H = 128, 16, 4, 128, 128, 128
    x = jax.random.normal(ks[0], (N, d_node), dtype=jnp.float32)
    pos = jax.random.normal(ks[1], (N, d_pos), dtype=jnp.float32)
    sem = jax.random.uniform(ks[2], (N, d_sem), dtype=jnp.float32)
    edge_index = jax.random.randint(ks[3], (2, E), 0, N, dtype=jnp.int32)
    d_edge_in = 2 * (d_msg + d_sem) + d_pos  # 292
    d_upd_in = d_msg + d_msg + d_sem  # 272
    params = {
        'mlp_in': [_lin(ks[4], d_node, H), _lin(ks[5], H, H), _lin(ks[6], H, d_msg)],
        'edge_mlp': [_lin(ks[7], d_edge_in, H), _lin(ks[8], H, H), _lin(ks[9], H, d_msg)],
        'update_mlp': [_lin(ks[10], d_upd_in, H), _lin(ks[11], H, d_msg)],
        'mlp_out': [_lin(ks[12], d_msg, H), _lin(ks[13], H, H), _lin(ks[14], H, d_out)],
    }
    return {'x': x, 'edge_index': edge_index, 'pos': pos, 'sem': sem, 'params': params}


def reference(x, edge_index, pos, sem, params):
    N = x.shape[0]
    h = _mlp(x, params['mlp_in'])
    src = edge_index[0]
    dst = edge_index[1]
    # PyG flow='source_to_target': x_i = x[dst], x_j = x[src]
    x_i = jnp.take(h, dst, axis=0)
    x_j = jnp.take(h, src, axis=0)
    pos_i = jnp.take(pos, dst, axis=0)
    pos_j = jnp.take(pos, src, axis=0)
    sem_i = jnp.take(sem, dst, axis=0)
    sem_j = jnp.take(sem, src, axis=0)
    rel = transform2frame(pos_i, pos_j[:, None, :])[:, 0, :]
    rel = jnp.where(jnp.isnan(rel), jnp.zeros_like(rel), rel)
    msg_in = jnp.concatenate([x_i, x_j, sem_i, sem_j, rel], axis=-1)
    msgs = _mlp(msg_in, params['edge_mlp'])
    aggr = jax.ops.segment_max(msgs, dst, num_segments=N)
    # PyG fills isolated nodes with 0
    aggr = jnp.where(jnp.isneginf(aggr), jnp.zeros_like(aggr), aggr)
    upd_in = jnp.concatenate([h, aggr, sem], axis=-1)
    h = _mlp(upd_in, params['update_mlp'])
    out = _mlp(h, params['mlp_out'])
    return out

if __name__ == "__main__":
    import jax
    _d = setup_inputs()
    print(jax.jit(kernel)(*tuple(_d.values())))

</pallas_src>

<mosaic_0001>
#map = affine_map<(d0, d1) -> (0, 0)>
#map1 = affine_map<(d0, d1) -> (0, 0, 0)>
module attributes {stable_mosaic.version = 14 : i64} {
  func.func @body(%arg0: i32, %arg1: i32, %arg2: memref<10000x256xf32, #tpu.memory_space<hbm>>, %arg3: memref<32x79x128xi32, #tpu.memory_space<hbm>>, %arg4: memref<323584x256xf32, #tpu.memory_space<hbm>>, %arg5: memref<79x128xi32, #tpu.memory_space<vmem>>, %arg6: memref<128x256xf32, #tpu.memory_space<vmem>>, %arg7: memref<128x256xf32, #tpu.memory_space<vmem>>, %arg8: memref<!tpu.dma_semaphore, #tpu.memory_space<semaphore_mem>>) attributes {dimension_semantics = [#tpu.dimension_semantics<core_parallel>, #tpu.dimension_semantics<subcore_parallel>], iteration_bounds = array<i64: 2, 16>, scalar_prefetch = 0 : i64, scratch_operands = 4 : i64, tpu.core_type = #tpu.core_type<sc_vector_subcore>, window_params = [{transform_indices = #map}, {transform_indices = #map1}, {transform_indices = #map}]} {
    %mul3A = arith.constant 2 : i32
    %mul3A_0 = arith.muli %arg1, %mul3A : i32
    %add3A = arith.addi %mul3A_0, %arg0 : i32
    "tpu.region"() ({
      %run_scoped3A = tpu.sem_alloc : memref<!tpu.dma_semaphore, #tpu.memory_space<semaphore_mem>>
      %dma_start3A = arith.constant 0 : i32
      %dma_start3A_6 = arith.constant 0 : i32
      %dma_start3A_7 = tpu.memref_slice %arg3[%add3A, %dma_start3A, %dma_start3A_6] : memref<32x79x128xi32, #tpu.memory_space<hbm>> -> memref<1x79x128xi32, #tpu.memory_space<hbm>>
      %dma_start3A_8 = tpu.memref_squeeze %dma_start3A_7 : memref<1x79x128xi32, #tpu.memory_space<hbm>> -> memref<79x128xi32, #tpu.memory_space<hbm>>
      %dma_start3A_9 = arith.constant 0 : i32
      %dma_start3A_10 = arith.constant 0 : i32
      %dma_start3A_11 = tpu.memref_slice %arg3[%add3A, %dma_start3A_9, %dma_start3A_10] : memref<32x79x128xi32, #tpu.memory_space<hbm>> -> memref<1x79x128xi32, #tpu.memory_space<hbm>>
      %dma_start3A_12 = tpu.memref_squeeze %dma_start3A_11 : memref<1x79x128xi32, #tpu.memory_space<hbm>> -> memref<79x128xi32, #tpu.memory_space<hbm>>
      tpu.enqueue_dma source(%dma_start3A_12 : memref<79x128xi32, #tpu.memory_space<hbm>>) target(%arg5 : memref<79x128xi32, #tpu.memory_space<vmem>>) target_semaphore(%run_scoped3A : memref<!tpu.dma_semaphore, #tpu.memory_space<semaphore_mem>>)
      %dma_wait3A = arith.constant 0 : i32
      %dma_wait3A_13 = arith.constant 0 : i32
      %dma_wait3A_14 = tpu.memref_slice %arg3[%add3A, %dma_wait3A, %dma_wait3A_13] : memref<32x79x128xi32, #tpu.memory_space<hbm>> -> memref<1x79x128xi32, #tpu.memory_space<hbm>>
      %dma_wait3A_15 = tpu.memref_squeeze %dma_wait3A_14 : memref<1x79x128xi32, #tpu.memory_space<hbm>> -> memref<79x128xi32, #tpu.memory_space<hbm>>
      %dma_wait3A_16 = arith.constant 0 : i32
      %dma_wait3A_17 = arith.constant 0 : i32
      %dma_wait3A_18 = tpu.memref_slice %arg3[%add3A, %dma_wait3A_16, %dma_wait3A_17] : memref<32x79x128xi32, #tpu.memory_space<hbm>> -> memref<1x79x128xi32, #tpu.memory_space<hbm>>
      %dma_wait3A_19 = tpu.memref_squeeze %dma_wait3A_18 : memref<1x79x128xi32, #tpu.memory_space<hbm>> -> memref<79x128xi32, #tpu.memory_space<hbm>>
      tpu.wait_dma2 semaphore(%run_scoped3A : memref<!tpu.dma_semaphore, #tpu.memory_space<semaphore_mem>>) src(%dma_wait3A_19 : memref<79x128xi32, #tpu.memory_space<hbm>>) dst(%arg5 : memref<79x128xi32, #tpu.memory_space<vmem>>)
      tpu.yield
    }) : () -> ()
    %scan3A = arith.constant 0 : i32
    %scan3A_1 = arith.constant 0 : i32
    %scan3A_2 = arith.constant 79 : i32
    %scan3A_3 = arith.addi %scan3A_1, %scan3A_2 : i32
    %scan3A_4 = arith.constant 1 : i32
    scf.for %scan3A_6 = %scan3A_1 to %scan3A_3 step %scan3A_4  : i32 {
      %dma_start3A = arith.constant 0 : i32
      %dma_start3A_7 = tpu.memref_slice %arg5[%scan3A_6, %dma_start3A] : memref<79x128xi32, #tpu.memory_space<vmem>> -> memref<1x128xi32, #tpu.memory_space<vmem>>
      %dma_start3A_8 = tpu.memref_squeeze %dma_start3A_7 : memref<1x128xi32, #tpu.memory_space<vmem>> -> memref<128xi32, #tpu.memory_space<vmem>>
      %dma_start3A_9 = arith.constant 0 : i32
      %dma_start3A_10 = arith.constant 0 : i32
      %dma_start3A_11 = tpu.memref_slice %arg2[%dma_start3A_9, %dma_start3A_10] : memref<10000x256xf32, #tpu.memory_space<hbm>> -> memref<10000x256xf32, #tpu.memory_space<hbm>>
      tpu.enqueue_indirect_dma source(%dma_start3A_11 : memref<10000x256xf32, #tpu.memory_space<hbm>>) target(%arg6 : memref<128x256xf32, #tpu.memory_space<vmem>>) offsets(%dma_start3A_8 : memref<128xi32, #tpu.memory_space<vmem>>) semaphore(%arg8 : memref<!tpu.dma_semaphore, #tpu.memory_space<semaphore_mem>>)
      %dma_wait3A = arith.constant 0 : i32
      %dma_wait3A_12 = tpu.memref_slice %arg5[%scan3A_6, %dma_wait3A] : memref<79x128xi32, #tpu.memory_space<vmem>> -> memref<1x128xi32, #tpu.memory_space<vmem>>
      %dma_wait3A_13 = tpu.memref_squeeze %dma_wait3A_12 : memref<1x128xi32, #tpu.memory_space<vmem>> -> memref<128xi32, #tpu.memory_space<vmem>>
      %dma_wait3A_14 = arith.constant 0 : i32
      %dma_wait3A_15 = arith.constant 0 : i32
      %dma_wait3A_16 = tpu.memref_slice %arg2[%dma_wait3A_14, %dma_wait3A_15] : memref<10000x256xf32, #tpu.memory_space<hbm>> -> memref<10000x256xf32, #tpu.memory_space<hbm>>
      tpu.wait_indirect_dma semaphore(%arg8 : memref<!tpu.dma_semaphore, #tpu.memory_space<semaphore_mem>>) src(%dma_wait3A_16 : memref<10000x256xf32, #tpu.memory_space<hbm>>) dst(%arg6 : memref<128x256xf32, #tpu.memory_space<vmem>>)
      %mul3A_17 = arith.constant 10112 : i32
      %mul3A_18 = arith.muli %add3A, %mul3A_17 : i32
      %mul3A_19 = arith.constant 128 : i32
      %mul3A_20 = arith.muli %scan3A_6, %mul3A_19 : i32
      %add3A_21 = arith.addi %mul3A_18, %mul3A_20 : i32
      "tpu.region"() ({
        %run_scoped3A = tpu.sem_alloc : memref<!tpu.dma_semaphore, #tpu.memory_space<semaphore_mem>>
        %dma_start3A_22 = arith.constant 0 : i32
        %dma_start3A_23 = tpu.memref_slice %arg4[%add3A_21, %dma_start3A_22] : memref<323584x256xf32, #tpu.memory_space<hbm>> -> memref<128x256xf32, #tpu.memory_space<hbm>>
        %dma_start3A_24 = arith.constant 0 : i32
        %dma_start3A_25 = tpu.memref_slice %arg4[%add3A_21, %dma_start3A_24] : memref<323584x256xf32, #tpu.memory_space<hbm>> -> memref<128x256xf32, #tpu.memory_space<hbm>>
        tpu.enqueue_dma source(%arg6 : memref<128x256xf32, #tpu.memory_space<vmem>>) target(%dma_start3A_25 : memref<128x256xf32, #tpu.memory_space<hbm>>) target_semaphore(%run_scoped3A : memref<!tpu.dma_semaphore, #tpu.memory_space<semaphore_mem>>)
        %dma_wait3A_26 = arith.constant 0 : i32
        %dma_wait3A_27 = tpu.memref_slice %arg4[%add3A_21, %dma_wait3A_26] : memref<323584x256xf32, #tpu.memory_space<hbm>> -> memref<128x256xf32, #tpu.memory_space<hbm>>
        %dma_wait3A_28 = arith.constant 0 : i32
        %dma_wait3A_29 = tpu.memref_slice %arg4[%add3A_21, %dma_wait3A_28] : memref<323584x256xf32, #tpu.memory_space<hbm>> -> memref<128x256xf32, #tpu.memory_space<hbm>>
        tpu.wait_dma2 semaphore(%run_scoped3A : memref<!tpu.dma_semaphore, #tpu.memory_space<semaphore_mem>>) src(%arg6 : memref<128x256xf32, #tpu.memory_space<vmem>>) dst(%dma_wait3A_29 : memref<128x256xf32, #tpu.memory_space<hbm>>)
        tpu.yield
      }) : () -> ()
    }
    %scan3A_5 = arith.constant 79 : i32
    return
  }
}

module attributes {stable_mosaic.version = 14 : i64} {
  func.func @_node_pre_body(%arg0: i32, %arg1: memref<400x128xf32, #tpu.memory_space<vmem>>, %arg2: memref<400x16xf32, #tpu.memory_space<vmem>>, %arg3: memref<400x4xf32, #tpu.memory_space<vmem>>, %arg4: memref<128x128xf32, #tpu.memory_space<vmem>>, %arg5: memref<1x128xf32, #tpu.memory_space<vmem>>, %arg6: memref<128x128xf32, #tpu.memory_space<vmem>>, %arg7: memref<1x128xf32, #tpu.memory_space<vmem>>, %arg8: memref<128x128xf32, #tpu.memory_space<vmem>>, %arg9: memref<1x128xf32, #tpu.memory_space<vmem>>, %arg10: memref<128x128xf32, #tpu.memory_space<vmem>>, %arg11: memref<16x128xf32, #tpu.memory_space<vmem>>, %arg12: memref<1x128xf32, #tpu.memory_space<vmem>>, %arg13: memref<128x128xf32, #tpu.memory_space<vmem>>, %arg14: memref<16x128xf32, #tpu.memory_space<vmem>>, %arg15: memref<128x128xf32, #tpu.memory_space<vmem>>, %arg16: memref<16x128xf32, #tpu.memory_space<vmem>>, %arg17: memref<1x128xf32, #tpu.memory_space<vmem>>, %arg18: memref<4x128xf32, #tpu.memory_space<vmem>>, %arg19: memref<400x128xf32, #tpu.memory_space<vmem>>, %arg20: memref<400x256xf32, #tpu.memory_space<vmem>>, %arg21: memref<400x128xf32, #tpu.memory_space<vmem>>, %arg22: memref<400x2xf32, #tpu.memory_space<vmem>>) attributes {dimension_semantics = [#tpu.dimension_semantics<arbitrary>], iteration_bounds = array<i64: 25>, scalar_prefetch = 0 : i64, scratch_operands = 0 : i64, tpu.core_type = #tpu.core_type<tc>, window_params = [{transform_indices = @transform_0, window_bounds = array<i64: 400, 128>}, {transform_indices = @transform_1, window_bounds = array<i64: 400, 16>}, {transform_indices = @transform_2, window_bounds = array<i64: 400, 4>}, {pipeline_mode = #tpu.pipeline_mode<synchronous>, transform_indices = @transform_3, window_bounds = array<i64: 128, 128>}, {pipeline_mode = #tpu.pipeline_mode<synchronous>, transform_indices = @transform_4, window_bounds = array<i64: 1, 128>}, {pipeline_mode = #tpu.pipeline_mode<synchronous>, transform_indices = @transform_5, window_bounds = array<i64: 128, 128>}, {pipeline_mode = #tpu.pipeline_mode<synchronous>, transform_indices = @transform_6, window_bounds = array<i64: 1, 128>}, {pipeline_mode = #tpu.pipeline_mode<synchronous>, transform_indices = @transform_7, window_bounds = array<i64: 128, 128>}, {pipeline_mode = #tpu.pipeline_mode<synchronous>, transform_indices = @transform_8, window_bounds = array<i64: 1, 128>}, {pipeline_mode = #tpu.pipeline_mode<synchronous>, transform_indices = @transform_9, window_bounds = array<i64: 128, 128>}, {pipeline_mode = #tpu.pipeline_mode<synchronous>, transform_indices = @transform_10, window_bounds = array<i64: 16, 128>}, {pipeline_mode = #tpu.pipeline_mode<synchronous>, transform_indices = @transform_11, window_bounds = array<i64: 1, 128>}, {pipeline_mode = #tpu.pipeline_mode<synchronous>, transform_indices = @transform_12, window_bounds = array<i64: 128, 128>}, {pipeline_mode = #tpu.pipeline_mode<synchronous>, transform_indices = @transform_13, window_bounds = array<i64: 16, 128>}, {pipeline_mode = #tpu.pipeline_mode<synchronous>, transform_indices = @transform_14, window_bounds = array<i64: 128, 128>}, {pipeline_mode = #tpu.pipeline_mode<synchronous>, transform_indices = @transform_15, window_bounds = array<i64: 16, 128>}, {pipeline_mode = #tpu.pipeline_mode<synchronous>, transform_indices = @transform_16, window_bounds = array<i64: 1, 128>}, {pipeline_mode = #tpu.pipeline_mode<synchronous>, transform_indices = @transform_17, window_bounds = array<i64: 4, 128>}, {transform_indices = @transform_18, window_bounds = array<i64: 400, 128>}, {transform_indices = @transform_19, window_bounds = array<i64: 400, 256>}, {transform_indices = @transform_20, window_bounds = array<i64: 400, 128>}, {transform_indices = @transform_21, window_bounds = array<i64: 400, 2>}]} {
    %get3A = arith.constant 0 : index
    %get3A_0 = arith.constant 0 : index
    %get3A_1 = vector.load %arg1[%get3A, %get3A_0] : memref<400x128xf32, #tpu.memory_space<vmem>>, vector<400x128xf32>
    %get3A_2 = arith.constant 0 : index
    %get3A_3 = arith.constant 0 : index
    %get3A_4 = vector.load %arg2[%get3A_2, %get3A_3] : memref<400x16xf32, #tpu.memory_space<vmem>>, vector<400x16xf32>
    %get3A_5 = arith.constant 0 : index
    %get3A_6 = arith.constant 0 : index
    %get3A_7 = vector.load %arg3[%get3A_5, %get3A_6] : memref<400x4xf32, #tpu.memory_space<vmem>>, vector<400x4xf32>
    %get3A_8 = arith.constant 0 : index
    %get3A_9 = arith.constant 0 : index
    %get3A_10 = vector.load %arg4[%get3A_8, %get3A_9] : memref<128x128xf32, #tpu.memory_space<vmem>>, vector<128x128xf32>
    %dot_general3A = arith.constant dense<0.000000e+00> : vector<400x128xf32>
    %dot_general3A_11 = tpu.matmul %get3A_1, %get3A_10, %dot_general3A {dimension_numbers = #tpu.dot_dimension_numbers<[1], [0], [0], [1], [0, 0, 1, 1], [], []>, transpose_lhs_hint = false} : vector<400x128xf32>, vector<128x128xf32>, vector<400x128xf32> -> vector<400x128xf32>
    %get3A_12 = arith.constant 0 : index
    %get3A_13 = arith.constant 0 : index
    %get3A_14 = vector.load %arg5[%get3A_12, %get3A_13] : memref<1x128xf32, #tpu.memory_space<vmem>>, vector<1x128xf32>
    %add3A = vector.broadcast %get3A_14 : vector<1x128xf32> to vector<400x128xf32>
    %add3A_15 = arith.addf %dot_general3A_11, %add3A : vector<400x128xf32>
    %max3A = arith.constant 0.000000e+00 : f32
    %max3A_16 = vector.broadcast %max3A : f32 to vector<400x128xf32>
    %max3A_17 = arith.maximumf %add3A_15, %max3A_16 : vector<400x128xf32>
    %get3A_18 = arith.constant 0 : index
    %get3A_19 = arith.constant 0 : index
    %get3A_20 = vector.load %arg6[%get3A_18, %get3A_19] : memref<128x128xf32, #tpu.memory_space<vmem>>, vector<128x128xf32>
    %dot_general3A_21 = arith.constant dense<0.000000e+00> : vector<400x128xf32>
    %dot_general3A_22 = tpu.matmul %max3A_17, %get3A_20, %dot_general3A_21 {dimension_numbers = #tpu.dot_dimension_numbers<[1], [0], [0], [1], [0, 0, 1, 1], [], []>, transpose_lhs_hint = false} : vector<400x128xf32>, vector<128x128xf32>, vector<400x128xf32> -> vector<400x128xf32>
    %get3A_23 = arith.constant 0 : index
    %get3A_24 = arith.constant 0 : index
    %get3A_25 = vector.load %arg7[%get3A_23, %get3A_24] : memref<1x128xf32, #tpu.memory_space<vmem>>, vector<1x128xf32>
    %add3A_26 = vector.broadcast %get3A_25 : vector<1x128xf32> to vector<400x128xf32>
    %add3A_27 = arith.addf %dot_general3A_22, %add3A_26 : vector<400x128xf32>
    %max3A_28 = arith.constant 0.000000e+00 : f32
    %max3A_29 = vector.broadcast %max3A_28 : f32 to vector<400x128xf32>
    %max3A_30 = arith.maximumf %add3A_27, %max3A_29 : vector<400x128xf32>
    %get3A_31 = arith.constant 0 : index
    %get3A_32 = arith.constant 0 : index
    %get3A_33 = vector.load %arg8[%get3A_31, %get3A_32] : memref<128x128xf32, #tpu.memory_space<vmem>>, vector<128x128xf32>
    %dot_general3A_34 = arith.constant dense<0.000000e+00> : vector<400x128xf32>
    %dot_general3A_35 = tpu.matmul %max3A_30, %get3A_33, %dot_general3A_34 {dimension_numbers = #tpu.dot_dimension_numbers<[1], [0], [0], [1], [0, 0, 1, 1], [], []>, transpose_lhs_hint = false} : vector<400x128xf32>, vector<128x128xf32>, vector<400x128xf32> -> vector<400x128xf32>
    %get3A_36 = arith.constant 0 : index
    %get3A_37 = arith.constant 0 : index
    %get3A_38 = vector.load %arg9[%get3A_36, %get3A_37] : memref<1x128xf32, #tpu.memory_space<vmem>>, vector<1x128xf32>
    %add3A_39 = vector.broadcast %get3A_38 : vector<1x128xf32> to vector<400x128xf32>
    %add3A_40 = arith.addf %dot_general3A_35, %add3A_39 : vector<400x128xf32>
    %get3A_41 = arith.constant 0 : index
    %get3A_42 = arith.constant 0 : index
    %get3A_43 = vector.load %arg13[%get3A_41, %get3A_42] : memref<128x128xf32, #tpu.memory_space<vmem>>, vector<128x128xf32>
    %dot_general3A_44 = arith.constant dense<0.000000e+00> : vector<400x128xf32>
    %dot_general3A_45 = tpu.matmul %add3A_40, %get3A_43, %dot_general3A_44 {dimension_numbers = #tpu.dot_dimension_numbers<[1], [0], [0], [1], [0, 0, 1, 1], [], []>, transpose_lhs_hint = false} : vector<400x128xf32>, vector<128x128xf32>, vector<400x128xf32> -> vector<400x128xf32>
    %get3A_46 = arith.constant 0 : index
    %get3A_47 = arith.constant 0 : index
    %get3A_48 = vector.load %arg14[%get3A_46, %get3A_47] : memref<16x128xf32, #tpu.memory_space<vmem>>, vector<16x128xf32>
    %dot_general3A_49 = arith.constant dense<0.000000e+00> : vector<400x128xf32>
    %dot_general3A_50 = tpu.matmul %get3A_4, %get3A_48, %dot_general3A_49 {dimension_numbers = #tpu.dot_dimension_numbers<[1], [0], [0], [1], [0, 0, 1, 1], [], []>, transpose_lhs_hint = false} : vector<400x16xf32>, vector<16x128xf32>, vector<400x128xf32> -> vector<400x128xf32>
    %add3A_51 = arith.addf %dot_general3A_45, %dot_general3A_50 : vector<400x128xf32>
    %get3A_52 = arith.constant 0 : index
    %get3A_53 = arith.constant 0 : index
    %get3A_54 = vector.load %arg15[%get3A_52, %get3A_53] : memref<128x128xf32, #tpu.memory_space<vmem>>, vector<128x128xf32>
    %dot_general3A_55 = arith.constant dense<0.000000e+00> : vector<400x128xf32>
    %dot_general3A_56 = tpu.matmul %add3A_40, %get3A_54, %dot_general3A_55 {dimension_numbers = #tpu.dot_dimension_numbers<[1], [0], [0], [1], [0, 0, 1, 1], [], []>, transpose_lhs_hint = false} : vector<400x128xf32>, vector<128x128xf32>, vector<400x128xf32> -> vector<400x128xf32>
    %get3A_57 = arith.constant 0 : index
    %get3A_58 = arith.constant 0 : index
    %get3A_59 = vector.load %arg16[%get3A_57, %get3A_58] : memref<16x128xf32, #tpu.memory_space<vmem>>, vector<16x128xf32>
    %dot_general3A_60 = arith.constant dense<0.000000e+00> : vector<400x128xf32>
    %dot_general3A_61 = tpu.matmul %get3A_4, %get3A_59, %dot_general3A_60 {dimension_numbers = #tpu.dot_dimension_numbers<[1], [0], [0], [1], [0, 0, 1, 1], [], []>, transpose_lhs_hint = false} : vector<400x16xf32>, vector<16x128xf32>, vector<400x128xf32> -> vector<400x128xf32>
    %add3A_62 = arith.addf %dot_general3A_56, %dot_general3A_61 : vector<400x128xf32>
    %get3A_63 = arith.constant 0 : index
    %get3A_64 = arith.constant 0 : index
    %get3A_65 = vector.load %arg17[%get3A_63, %get3A_64] : memref<1x128xf32, #tpu.memory_space<vmem>>, vector<1x128xf32>
    %add3A_66 = vector.broadcast %get3A_65 : vector<1x128xf32> to vector<400x128xf32>
    %add3A_67 = arith.addf %add3A_62, %add3A_66 : vector<400x128xf32>
    %slice3A = vector.extract_strided_slice %get3A_7 {offsets = [0, 0], sizes = [400, 1], strides = [1, 1]} : vector<400x4xf32> to vector<400x1xf32>
    %slice3A_68 = vector.extract_strided_slice %get3A_7 {offsets = [0, 1], sizes = [400, 1], strides = [1, 1]} : vector<400x4xf32> to vector<400x1xf32>
    %slice3A_69 = vector.extract_strided_slice %get3A_7 {offsets = [0, 2], sizes = [400, 1], strides = [1, 1]} : vector<400x4xf32> to vector<400x1xf32>
    %slice3A_70 = vector.extract_strided_slice %get3A_7 {offsets = [0, 3], sizes = [400, 1], strides = [1, 1]} : vector<400x4xf32> to vector<400x1xf32>
    %mul3A = arith.mulf %slice3A_69, %slice3A_69 : vector<400x1xf32>
    %mul3A_71 = arith.mulf %slice3A_70, %slice3A_70 : vector<400x1xf32>
    %add3A_72 = arith.addf %mul3A, %mul3A_71 : vector<400x1xf32>
    %sqrt3A = math.sqrt %add3A_72 : vector<400x1xf32>
    %gt3A = arith.constant 0.000000e+00 : f32
    %gt3A_73 = vector.broadcast %gt3A : f32 to vector<400x1xf32>
    %gt3A_74 = arith.cmpf ogt, %sqrt3A, %gt3A_73 : vector<400x1xf32>
    %div3A = arith.divf %slice3A_69, %sqrt3A : vector<400x1xf32>
    %jit3A = arith.constant 1.000000e+00 : f32
    %broadcast_in_dim3A = vector.broadcast %jit3A : f32 to vector<400x1xf32>
    %select_n3A = arith.select %gt3A_74, %div3A, %broadcast_in_dim3A : vector<400x1xi1>, vector<400x1xf32>
    %div3A_75 = arith.divf %slice3A_70, %sqrt3A : vector<400x1xf32>
    %jit3A_76 = arith.constant 0.000000e+00 : f32
    %broadcast_in_dim3A_77 = vector.broadcast %jit3A_76 : f32 to vector<400x1xf32>
    %select_n3A_78 = arith.select %gt3A_74, %div3A_75, %broadcast_in_dim3A_77 : vector<400x1xi1>, vector<400x1xf32>
    %get3A_79 = arith.constant 0 : index
    %get3A_80 = arith.constant 0 : index
    %get3A_81 = vector.load %arg18[%get3A_79, %get3A_80] : memref<4x128xf32, #tpu.memory_space<vmem>>, vector<4x128xf32>
    %slice3A_82 = vector.extract_strided_slice %get3A_81 {offsets = [0, 0], sizes = [1, 128], strides = [1, 1]} : vector<4x128xf32> to vector<1x128xf32>
    %slice3A_83 = vector.extract_strided_slice %get3A_81 {offsets = [1, 0], sizes = [1, 128], strides = [1, 1]} : vector<4x128xf32> to vector<1x128xf32>
    %get3A_84 = arith.constant 0 : index
    %get3A_85 = arith.constant 0 : index
    %get3A_86 = vector.load %arg10[%get3A_84, %get3A_85] : memref<128x128xf32, #tpu.memory_space<vmem>>, vector<128x128xf32>
    %dot_general3A_87 = arith.constant dense<0.000000e+00> : vector<400x128xf32>
    %dot_general3A_88 = tpu.matmul %add3A_40, %get3A_86, %dot_general3A_87 {dimension_numbers = #tpu.dot_dimension_numbers<[1], [0], [0], [1], [0, 0, 1, 1], [], []>, transpose_lhs_hint = false} : vector<400x128xf32>, vector<128x128xf32>, vector<400x128xf32> -> vector<400x128xf32>
    %get3A_89 = arith.constant 0 : index
    %get3A_90 = arith.constant 0 : index
    %get3A_91 = vector.load %arg11[%get3A_89, %get3A_90] : memref<16x128xf32, #tpu.memory_space<vmem>>, vector<16x128xf32>
    %dot_general3A_92 = arith.constant dense<0.000000e+00> : vector<400x128xf32>
    %dot_general3A_93 = tpu.matmul %get3A_4, %get3A_91, %dot_general3A_92 {dimension_numbers = #tpu.dot_dimension_numbers<[1], [0], [0], [1], [0, 0, 1, 1], [], []>, transpose_lhs_hint = false} : vector<400x16xf32>, vector<16x128xf32>, vector<400x128xf32> -> vector<400x128xf32>
    %add3A_94 = arith.addf %dot_general3A_88, %dot_general3A_93 : vector<400x128xf32>
    %get3A_95 = arith.constant 0 : index
    %get3A_96 = arith.constant 0 : index
    %get3A_97 = vector.load %arg12[%get3A_95, %get3A_96] : memref<1x128xf32, #tpu.memory_space<vmem>>, vector<1x128xf32>
    %add3A_98 = vector.broadcast %get3A_97 : vector<1x128xf32> to vector<400x128xf32>
    %add3A_99 = arith.addf %add3A_94, %add3A_98 : vector<400x128xf32>
    %mul3A_100 = vector.broadcast %slice3A : vector<400x1xf32> to vector<400x128xf32>
    %mul3A_101 = vector.broadcast %slice3A_82 : vector<1x128xf32> to vector<400x128xf32>
    %mul3A_102 = arith.mulf %mul3A_100, %mul3A_101 : vector<400x128xf32>
    %mul3A_103 = vector.broadcast %slice3A_68 : vector<400x1xf32> to vector<400x128xf32>
    %mul3A_104 = vector.broadcast %slice3A_83 : vector<1x128xf32> to vector<400x128xf32>
    %mul3A_105 = arith.mulf %mul3A_103, %mul3A_104 : vector<400x128xf32>
    %add3A_106 = arith.addf %mul3A_102, %mul3A_105 : vector<400x128xf32>
    %mul3A_107 = vector.broadcast %select_n3A : vector<400x1xf32> to vector<400x128xf32>
    %mul3A_108 = arith.mulf %mul3A_107, %add3A_106 : vector<400x128xf32>
    %sub3A = arith.subf %add3A_99, %mul3A_108 : vector<400x128xf32>
    %mul3A_109 = vector.broadcast %slice3A_68 : vector<400x1xf32> to vector<400x128xf32>
    %mul3A_110 = vector.broadcast %slice3A_82 : vector<1x128xf32> to vector<400x128xf32>
    %mul3A_111 = arith.mulf %mul3A_109, %mul3A_110 : vector<400x128xf32>
    %mul3A_112 = vector.broadcast %slice3A : vector<400x1xf32> to vector<400x128xf32>
    %mul3A_113 = vector.broadcast %slice3A_83 : vector<1x128xf32> to vector<400x128xf32>
    %mul3A_114 = arith.mulf %mul3A_112, %mul3A_113 : vector<400x128xf32>
    %sub3A_115 = arith.subf %mul3A_111, %mul3A_114 : vector<400x128xf32>
    %mul3A_116 = vector.broadcast %select_n3A_78 : vector<400x1xf32> to vector<400x128xf32>
    %mul3A_117 = arith.mulf %mul3A_116, %sub3A_115 : vector<400x128xf32>
    %sub3A_118 = arith.subf %sub3A, %mul3A_117 : vector<400x128xf32>
    %broadcast_in_dim3A_119 = arith.constant 0.000000e+00 : f32
    %broadcast_in_dim3A_120 = vector.broadcast %broadcast_in_dim3A_119 : f32 to vector<400x124xf32>
    %swap3A = arith.constant 0 : index
    %swap3A_121 = arith.constant 0 : index
    %swap3A_122 = vector.load %arg19[%swap3A, %swap3A_121] : memref<400x128xf32, #tpu.memory_space<vmem>>, vector<400x128xf32>
    tpu.vector_store %arg19[%swap3A, %swap3A_121], %sub3A_118 {strides = array<i32>} : memref<400x128xf32, #tpu.memory_space<vmem>>, vector<400x128xf32>,
    %concatenate3A = tpu.concatenate %add3A_51, %get3A_7, %broadcast_in_dim3A_120 in 1 : vector<400x128xf32>, vector<400x4xf32>, vector<400x124xf32> -> vector<400x256xf32>
    %swap3A_123 = arith.constant 0 : index
    %swap3A_124 = arith.constant 0 : index
    %swap3A_125 = vector.load %arg20[%swap3A_123, %swap3A_124] : memref<400x256xf32, #tpu.memory_space<vmem>>, vector<400x256xf32>
    tpu.vector_store %arg20[%swap3A_123, %swap3A_124], %concatenate3A {strides = array<i32>} : memref<400x256xf32, #tpu.memory_space<vmem>>, vector<400x256xf32>,
    %swap3A_126 = arith.constant 0 : index
    %swap3A_127 = arith.constant 0 : index
    %swap3A_128 = vector.load %arg21[%swap3A_126, %swap3A_127] : memref<400x128xf32, #tpu.memory_space<vmem>>, vector<400x128xf32>
    tpu.vector_store %arg21[%swap3A_126, %swap3A_127], %add3A_67 {strides = array<i32>} : memref<400x128xf32, #tpu.memory_space<vmem>>, vector<400x128xf32>,
    %concatenate3A_129 = tpu.concatenate %select_n3A, %select_n3A_78 in 1 : vector<400x1xf32>, vector<400x1xf32> -> vector<400x2xf32>
    %swap3A_130 = arith.constant 0 : index
    %swap3A_131 = arith.constant 0 : index
    %swap3A_132 = vector.load %arg22[%swap3A_130, %swap3A_131] : memref<400x2xf32, #tpu.memory_space<vmem>>, vector<400x2xf32>
    tpu.vector_store %arg22[%swap3A_130, %swap3A_131], %concatenate3A_129 {strides = array<i32>} : memref<400x2xf32, #tpu.memory_space<vmem>>, vector<400x2xf32>,
    return
  }
  func.func @transform_0(%arg0: i32) -> (i32, i32) {
    %c0_i32 = arith.constant 0 : i32
    %c0_i32_0 = arith.constant 0 : i32
    return %arg0, %c0_i32 : i32, i32
  }
  func.func @transform_1(%arg0: i32) -> (i32, i32) {
    %c0_i32 = arith.constant 0 : i32
    %c0_i32_0 = arith.constant 0 : i32
    return %arg0, %c0_i32 : i32, i32
  }
  func.func @transform_2(%arg0: i32) -> (i32, i32) {
    %c0_i32 = arith.constant 0 : i32
    %c0_i32_0 = arith.constant 0 : i32
    return %arg0, %c0_i32 : i32, i32
  }
  func.func @transform_3(%arg0: i32) -> (i32, i32) {
    %c0_i32 = arith.constant 0 : i32
    %c0_i32_0 = arith.constant 0 : i32
    %c0_i32_1 = arith.constant 0 : i32
    return %c0_i32, %c0_i32_0 : i32, i32
  }
  func.func @transform_4(%arg0: i32) -> (i32, i32) {
    %c0_i32 = arith.constant 0 : i32
    %c0_i32_0 = arith.constant 0 : i32
    %c0_i32_1 = arith.constant 0 : i32
    return %c0_i32, %c0_i32_0 : i32, i32
  }
  func.func @transform_5(%arg0: i32) -> (i32, i32) {
    %c0_i32 = arith.constant 0 : i32
    %c0_i32_0 = arith.constant 0 : i32
    %c0_i32_1 = arith.constant 0 : i32
    return %c0_i32, %c0_i32_0 : i32, i32
  }
  func.func @transform_6(%arg0: i32) -> (i32, i32) {
    %c0_i32 = arith.constant 0 : i32
    %c0_i32_0 = arith.constant 0 : i32
    %c0_i32_1 = arith.constant 0 : i32
    return %c0_i32, %c0_i32_0 : i32, i32
  }
  func.func @transform_7(%arg0: i32) -> (i32, i32) {
    %c0_i32 = arith.constant 0 : i32
    %c0_i32_0 = arith.constant 0 : i32
    %c0_i32_1 = arith.constant 0 : i32
    return %c0_i32, %c0_i32_0 : i32, i32
  }
  func.func @transform_8(%arg0: i32) -> (i32, i32) {
    %c0_i32 = arith.constant 0 : i32
    %c0_i32_0 = arith.constant 0 : i32
    %c0_i32_1 = arith.constant 0 : i32
    return %c0_i32, %c0_i32_0 : i32, i32
  }
  func.func @transform_9(%arg0: i32) -> (i32, i32) {
    %c0_i32 = arith.constant 0 : i32
    %c0_i32_0 = arith.constant 0 : i32
    %c0_i32_1 = arith.constant 0 : i32
    return %c0_i32, %c0_i32_0 : i32, i32
  }
  func.func @transform_10(%arg0: i32) -> (i32, i32) {
    %c0_i32 = arith.constant 0 : i32
    %c0_i32_0 = arith.constant 0 : i32
    %c0_i32_1 = arith.constant 0 : i32
    return %c0_i32, %c0_i32_0 : i32, i32
  }
  func.func @transform_11(%arg0: i32) -> (i32, i32) {
    %c0_i32 = arith.constant 0 : i32
    %c0_i32_0 = arith.constant 0 : i32
    %c0_i32_1 = arith.constant 0 : i32
    return %c0_i32, %c0_i32_0 : i32, i32
  }
  func.func @transform_12(%arg0: i32) -> (i32, i32) {
    %c0_i32 = arith.constant 0 : i32
    %c0_i32_0 = arith.constant 0 : i32
    %c0_i32_1 = arith.constant 0 : i32
    return %c0_i32, %c0_i32_0 : i32, i32
  }
  func.func @transform_13(%arg0: i32) -> (i32, i32) {
    %c0_i32 = arith.constant 0 : i32
    %c0_i32_0 = arith.constant 0 : i32
    %c0_i32_1 = arith.constant 0 : i32
    return %c0_i32, %c0_i32_0 : i32, i32
  }
  func.func @transform_14(%arg0: i32) -> (i32, i32) {
    %c0_i32 = arith.constant 0 : i32
    %c0_i32_0 = arith.constant 0 : i32
    %c0_i32_1 = arith.constant 0 : i32
    return %c0_i32, %c0_i32_0 : i32, i32
  }
  func.func @transform_15(%arg0: i32) -> (i32, i32) {
    %c0_i32 = arith.constant 0 : i32
    %c0_i32_0 = arith.constant 0 : i32
    %c0_i32_1 = arith.constant 0 : i32
    return %c0_i32, %c0_i32_0 : i32, i32
  }
  func.func @transform_16(%arg0: i32) -> (i32, i32) {
    %c0_i32 = arith.constant 0 : i32
    %c0_i32_0 = arith.constant 0 : i32
    %c0_i32_1 = arith.constant 0 : i32
    return %c0_i32, %c0_i32_0 : i32, i32
  }
  func.func @transform_17(%arg0: i32) -> (i32, i32) {
    %c0_i32 = arith.constant 0 : i32
    %c0_i32_0 = arith.constant 0 : i32
    %c0_i32_1 = arith.constant 0 : i32
    return %c0_i32, %c0_i32_0 : i32, i32
  }
  func.func @transform_18(%arg0: i32) -> (i32, i32) {
    %c0_i32 = arith.constant 0 : i32
    %c0_i32_0 = arith.constant 0 : i32
    return %arg0, %c0_i32 : i32, i32
  }
  func.func @transform_19(%arg0: i32) -> (i32, i32) {
    %c0_i32 = arith.constant 0 : i32
    %c0_i32_0 = arith.constant 0 : i32
    return %arg0, %c0_i32 : i32, i32
  }
  func.func @transform_20(%arg0: i32) -> (i32, i32) {
    %c0_i32 = arith.constant 0 : i32
    %c0_i32_0 = arith.constant 0 : i32
    return %arg0, %c0_i32 : i32, i32
  }
  func.func @transform_21(%arg0: i32) -> (i32, i32) {
    %c0_i32 = arith.constant 0 : i32
    %c0_i32_0 = arith.constant 0 : i32
    return %arg0, %c0_i32 : i32, i32
  }
}

module attributes {stable_mosaic.version = 14 : i64} {
  func.func @_edge_body(%arg0: i32, %arg1: memref<10001xi32, #tpu.memory_space<smem>>, %arg2: memref<323584x256xf32, #tpu.memory_space<any>>, %arg3: memref<8x128xf32, #tpu.memory_space<vmem>>, %arg4: memref<8x2xf32, #tpu.memory_space<vmem>>, %arg5: memref<4x128xf32, #tpu.memory_space<vmem>>, %arg6: memref<4x128xf32, #tpu.memory_space<vmem>>, %arg7: memref<128x128xbf16, #tpu.memory_space<vmem>>, %arg8: memref<1x128xf32, #tpu.memory_space<vmem>>, %arg9: memref<128x128xbf16, #tpu.memory_space<vmem>>, %arg10: memref<1x128xf32, #tpu.memory_space<vmem>>, %arg11: memref<8x128xf32, #tpu.memory_space<vmem>>, %arg12: memref<640x256xf32, #tpu.memory_space<vmem>>, %arg13: memref<2x!tpu.dma_semaphore, #tpu.memory_space<semaphore_mem>>, %arg14: memref<320x256xf32, #tpu.memory_space<vmem>>, %arg15: memref<!tpu.dma_semaphore, #tpu.memory_space<semaphore_mem>>) attributes {dimension_semantics = [#tpu.dimension_semantics<arbitrary>], iteration_bounds = array<i64: 1250>, scalar_prefetch = 1 : i64, scratch_operands = 4 : i64, tpu.core_type = #tpu.core_type<tc>, window_params = [{}, {transform_indices = @transform_1, window_bounds = array<i64: 8, 128>}, {transform_indices = @transform_2, window_bounds = array<i64: 8, 2>}, {pipeline_mode = #tpu.pipeline_mode<synchronous>, transform_indices = @transform_3, window_bounds = array<i64: 4, 128>}, {pipeline_mode = #tpu.pipeline_mode<synchronous>, transform_indices = @transform_4, window_bounds = array<i64: 4, 128>}, {pipeline_mode = #tpu.pipeline_mode<synchronous>, transform_indices = @transform_5, window_bounds = array<i64: 128, 128>}, {pipeline_mode = #tpu.pipeline_mode<synchronous>, transform_indices = @transform_6, window_bounds = array<i64: 1, 128>}, {pipeline_mode = #tpu.pipeline_mode<synchronous>, transform_indices = @transform_7, window_bounds = array<i64: 128, 128>}, {pipeline_mode = #tpu.pipeline_mode<synchronous>, transform_indices = @transform_8, window_bounds = array<i64: 1, 128>}, {transform_indices = @transform_9, window_bounds = array<i64: 8, 128>}]} {
    %mul3A = arith.constant 8 : i32
    %mul3A_0 = arith.muli %arg0, %mul3A : i32
    %rem3A = arith.constant 2 : i32
    %rem3A_1 = arith.remsi %arg0, %rem3A : i32
    %add3A = arith.constant 1 : i32
    %add3A_2 = arith.addi %arg0, %add3A : i32
    %rem3A_3 = arith.constant 2 : i32
    %rem3A_4 = arith.remsi %add3A_2, %rem3A_3 : i32
    %mul3A_5 = arith.constant 8 : i32
    %mul3A_6 = arith.muli %arg0, %mul3A_5 : i32
    %get3A = arith.index_cast %mul3A_6 : i32 to index
    %get3A_7 = memref.load %arg1[%get3A] : memref<10001xi32, #tpu.memory_space<smem>>
    %jit3A = arith.constant 8 : i32
    %div3A = arith.divsi %get3A_7, %jit3A : i32
    %sign3A = arith.constant 0 : i32
    %sign3A_8 = arith.cmpi sgt, %get3A_7, %sign3A : i32
    %sign3A_9 = arith.extui %sign3A_8 : i1 to i32
    %sign3A_10 = arith.constant 0 : i32
    %sign3A_11 = arith.cmpi slt, %get3A_7, %sign3A_10 : i32
    %sign3A_12 = arith.extui %sign3A_11 : i1 to i32
    %sign3A_13 = arith.subi %sign3A_9, %sign3A_12 : i32
    %sign3A_14 = arith.constant 0 : i32
    %sign3A_15 = arith.cmpi sgt, %jit3A, %sign3A_14 : i32
    %sign3A_16 = arith.extui %sign3A_15 : i1 to i32
    %sign3A_17 = arith.constant 0 : i32
    %sign3A_18 = arith.cmpi slt, %jit3A, %sign3A_17 : i32
    %sign3A_19 = arith.extui %sign3A_18 : i1 to i32
    %sign3A_20 = arith.subi %sign3A_16, %sign3A_19 : i32
    %ne3A = arith.cmpi ne, %sign3A_13, %sign3A_20 : i32
    %rem3A_21 = arith.remsi %get3A_7, %jit3A : i32
    %ne3A_22 = arith.constant 0 : i32
    %ne3A_23 = arith.cmpi ne, %rem3A_21, %ne3A_22 : i32
    %and3A = arith.andi %ne3A, %ne3A_23 : i1
    %sub3A = arith.constant 1 : i32
    %sub3A_24 = arith.subi %div3A, %sub3A : i32
    %select_n3A = arith.select %and3A, %sub3A_24, %div3A : i32
    %mul3A_25 = arith.constant 8 : i32
    %mul3A_26 = arith.muli %select_n3A, %mul3A_25 : i32
    %eq3A = arith.constant 0 : i32
    %eq3A_27 = arith.cmpi eq, %arg0, %eq3A : i32
    %convert_element_type3A = arith.extui %eq3A_27 : i1 to i32
    %cond3A = arith.constant 0 : i32
    %cond3A_28 = arith.cmpi ne, %convert_element_type3A, %cond3A : i32
    scf.if %cond3A_28 {
      %dma_start3A = arith.constant 0 : i32
      %dma_start3A_359 = tpu.memref_slice %arg13[%dma_start3A] : memref<2x!tpu.dma_semaphore, #tpu.memory_space<semaphore_mem>> -> memref<1x!tpu.dma_semaphore, #tpu.memory_space<semaphore_mem>>
      %dma_start3A_360 = tpu.memref_squeeze %dma_start3A_359 : memref<1x!tpu.dma_semaphore, #tpu.memory_space<semaphore_mem>> -> memref<!tpu.dma_semaphore, #tpu.memory_space<semaphore_mem>>
      %dma_start3A_361 = arith.constant 0 : i32
      %dma_start3A_362 = arith.constant 0 : i32
      %dma_start3A_363 = tpu.memref_slice %arg12[%dma_start3A_361, %dma_start3A_362] : memref<640x256xf32, #tpu.memory_space<vmem>> -> memref<320x256xf32, #tpu.memory_space<vmem>>
      %dma_start3A_364 = arith.constant 0 : i32
      %dma_start3A_365 = tpu.memref_slice %arg2[%mul3A_26, %dma_start3A_364] : memref<323584x256xf32, #tpu.memory_space<any>> -> memref<320x256xf32, #tpu.memory_space<any>>
      tpu.enqueue_dma source(%dma_start3A_365 : memref<320x256xf32, #tpu.memory_space<any>>) target(%dma_start3A_363 : memref<320x256xf32, #tpu.memory_space<vmem>>) target_semaphore(%dma_start3A_360 : memref<!tpu.dma_semaphore, #tpu.memory_space<semaphore_mem>>)
    } else {
    }
    %add3A_29 = arith.constant 1 : i32
    %add3A_30 = arith.addi %arg0, %add3A_29 : i32
    %lt3A = arith.constant 1250 : i32
    %lt3A_31 = arith.cmpi slt, %add3A_30, %lt3A : i32
    %convert_element_type3A_32 = arith.extui %lt3A_31 : i1 to i32
    %cond3A_33 = arith.constant 0 : i32
    %cond3A_34 = arith.cmpi ne, %convert_element_type3A_32, %cond3A_33 : i32
    scf.if %cond3A_34 {
      %add3A_359 = arith.constant 1 : i32
      %add3A_360 = arith.addi %arg0, %add3A_359 : i32
      %mul3A_361 = arith.constant 8 : i32
      %mul3A_362 = arith.muli %add3A_360, %mul3A_361 : i32
      %get3A_363 = arith.index_cast %mul3A_362 : i32 to index
      %get3A_364 = memref.load %arg1[%get3A_363] : memref<10001xi32, #tpu.memory_space<smem>>
      %jit3A_365 = arith.constant 8 : i32
      %div3A_366 = arith.divsi %get3A_364, %jit3A_365 : i32
      %sign3A_367 = arith.constant 0 : i32
      %sign3A_368 = arith.cmpi sgt, %get3A_364, %sign3A_367 : i32
      %sign3A_369 = arith.extui %sign3A_368 : i1 to i32
      %sign3A_370 = arith.constant 0 : i32
      %sign3A_371 = arith.cmpi slt, %get3A_364, %sign3A_370 : i32
      %sign3A_372 = arith.extui %sign3A_371 : i1 to i32
      %sign3A_373 = arith.subi %sign3A_369, %sign3A_372 : i32
      %sign3A_374 = arith.constant 0 : i32
      %sign3A_375 = arith.cmpi sgt, %jit3A_365, %sign3A_374 : i32
      %sign3A_376 = arith.extui %sign3A_375 : i1 to i32
      %sign3A_377 = arith.constant 0 : i32
      %sign3A_378 = arith.cmpi slt, %jit3A_365, %sign3A_377 : i32
      %sign3A_379 = arith.extui %sign3A_378 : i1 to i32
      %sign3A_380 = arith.subi %sign3A_376, %sign3A_379 : i32
      %ne3A_381 = arith.cmpi ne, %sign3A_373, %sign3A_380 : i32
      %rem3A_382 = arith.remsi %get3A_364, %jit3A_365 : i32
      %ne3A_383 = arith.constant 0 : i32
      %ne3A_384 = arith.cmpi ne, %rem3A_382, %ne3A_383 : i32
      %and3A_385 = arith.andi %ne3A_381, %ne3A_384 : i1
      %sub3A_386 = arith.constant 1 : i32
      %sub3A_387 = arith.subi %div3A_366, %sub3A_386 : i32
      %select_n3A_388 = arith.select %and3A_385, %sub3A_387, %div3A_366 : i32
      %mul3A_389 = arith.constant 8 : i32
      %mul3A_390 = arith.muli %select_n3A_388, %mul3A_389 : i32
      %mul3A_391 = arith.constant 320 : i32
      %mul3A_392 = arith.muli %rem3A_4, %mul3A_391 : i32
      %dma_start3A = tpu.memref_slice %arg13[%rem3A_4] : memref<2x!tpu.dma_semaphore, #tpu.memory_space<semaphore_mem>> -> memref<1x!tpu.dma_semaphore, #tpu.memory_space<semaphore_mem>>
      %dma_start3A_393 = tpu.memref_squeeze %dma_start3A : memref<1x!tpu.dma_semaphore, #tpu.memory_space<semaphore_mem>> -> memref<!tpu.dma_semaphore, #tpu.memory_space<semaphore_mem>>
      %dma_start3A_394 = arith.constant 0 : i32
      %dma_start3A_395 = tpu.memref_slice %arg12[%mul3A_392, %dma_start3A_394] : memref<640x256xf32, #tpu.memory_space<vmem>> -> memref<320x256xf32, #tpu.memory_space<vmem>>
      %dma_start3A_396 = arith.constant 0 : i32
      %dma_start3A_397 = tpu.memref_slice %arg2[%mul3A_390, %dma_start3A_396] : memref<323584x256xf32, #tpu.memory_space<any>> -> memref<320x256xf32, #tpu.memory_space<any>>
      tpu.enqueue_dma source(%dma_start3A_397 : memref<320x256xf32, #tpu.memory_space<any>>) target(%dma_start3A_395 : memref<320x256xf32, #tpu.memory_space<vmem>>) target_semaphore(%dma_start3A_393 : memref<!tpu.dma_semaphore, #tpu.memory_space<semaphore_mem>>)
    } else {
    }
    %mul3A_35 = arith.constant 320 : i32
    %mul3A_36 = arith.muli %rem3A_1, %mul3A_35 : i32
    %dma_wait3A = tpu.memref_slice %arg13[%rem3A_1] : memref<2x!tpu.dma_semaphore, #tpu.memory_space<semaphore_mem>> -> memref<1x!tpu.dma_semaphore, #tpu.memory_space<semaphore_mem>>
    %dma_wait3A_37 = tpu.memref_squeeze %dma_wait3A : memref<1x!tpu.dma_semaphore, #tpu.memory_space<semaphore_mem>> -> memref<!tpu.dma_semaphore, #tpu.memory_space<semaphore_mem>>
    %dma_wait3A_38 = arith.constant 0 : i32
    %dma_wait3A_39 = tpu.memref_slice %arg12[%mul3A_36, %dma_wait3A_38] : memref<640x256xf32, #tpu.memory_space<vmem>> -> memref<320x256xf32, #tpu.memory_space<vmem>>
    %dma_wait3A_40 = arith.constant 0 : i32
    %dma_wait3A_41 = tpu.memref_slice %arg2[%mul3A_26, %dma_wait3A_40] : memref<323584x256xf32, #tpu.memory_space<any>> -> memref<320x256xf32, #tpu.memory_space<any>>
    tpu.wait_dma2 semaphore(%dma_wait3A_37 : memref<!tpu.dma_semaphore, #tpu.memory_space<semaphore_mem>>) src(%dma_wait3A_41 : memref<320x256xf32, #tpu.memory_space<any>>) dst(%dma_wait3A_39 : memref<320x256xf32, #tpu.memory_space<vmem>>)
    %get3A_42 = arith.constant 0 : index
    %get3A_43 = arith.constant 0 : index
    %get3A_44 = vector.load %arg3[%get3A_42, %get3A_43] : memref<8x128xf32, #tpu.memory_space<vmem>>, vector<8x128xf32>
    %get3A_45 = arith.constant 0 : index
    %get3A_46 = arith.constant 0 : index
    %get3A_47 = vector.load %arg4[%get3A_45, %get3A_46] : memref<8x2xf32, #tpu.memory_space<vmem>>, vector<8x2xf32>
    %add3A_48 = arith.constant 8 : i32
    %add3A_49 = arith.addi %mul3A_0, %add3A_48 : i32
    %get3A_50 = arith.index_cast %add3A_49 : i32 to index
    %get3A_51 = memref.load %arg1[%get3A_50] : memref<10001xi32, #tpu.memory_space<smem>>
    %broadcast_in_dim3A = arith.constant 0xFF800000 : f32
    %broadcast_in_dim3A_52 = vector.broadcast %broadcast_in_dim3A : f32 to vector<1x128xf32>
    %broadcast_in_dim3A_53 = arith.constant 0xFF800000 : f32
    %broadcast_in_dim3A_54 = vector.broadcast %broadcast_in_dim3A_53 : f32 to vector<1x128xf32>
    %broadcast_in_dim3A_55 = arith.constant 0xFF800000 : f32
    %broadcast_in_dim3A_56 = vector.broadcast %broadcast_in_dim3A_55 : f32 to vector<1x128xf32>
    %broadcast_in_dim3A_57 = arith.constant 0xFF800000 : f32
    %broadcast_in_dim3A_58 = vector.broadcast %broadcast_in_dim3A_57 : f32 to vector<1x128xf32>
    %broadcast_in_dim3A_59 = arith.constant 0xFF800000 : f32
    %broadcast_in_dim3A_60 = vector.broadcast %broadcast_in_dim3A_59 : f32 to vector<1x128xf32>
    %broadcast_in_dim3A_61 = arith.constant 0xFF800000 : f32
    %broadcast_in_dim3A_62 = vector.broadcast %broadcast_in_dim3A_61 : f32 to vector<1x128xf32>
    %broadcast_in_dim3A_63 = arith.constant 0xFF800000 : f32
    %broadcast_in_dim3A_64 = vector.broadcast %broadcast_in_dim3A_63 : f32 to vector<1x128xf32>
    %broadcast_in_dim3A_65 = arith.constant 0xFF800000 : f32
    %broadcast_in_dim3A_66 = vector.broadcast %broadcast_in_dim3A_65 : f32 to vector<1x128xf32>
    %mul3A_67 = arith.constant 320 : i32
    %mul3A_68 = arith.muli %rem3A_1, %mul3A_67 : i32
    %iota3A = tpu.iota {dimensions = array<i32: 0>} : vector<320x1xi32>
    %add3A_69 = vector.broadcast %mul3A_26 : i32 to vector<320x1xi32>
    %add3A_70 = arith.addi %iota3A, %add3A_69 : vector<320x1xi32>
    %add3A_71 = arith.constant 0 : i32
    %add3A_72 = arith.addi %mul3A_0, %add3A_71 : i32
    %get3A_73 = arith.index_cast %add3A_72 : i32 to index
    %get3A_74 = memref.load %arg1[%get3A_73] : memref<10001xi32, #tpu.memory_space<smem>>
    %ge3A = vector.broadcast %get3A_74 : i32 to vector<320x1xi32>
    %ge3A_75 = arith.cmpi sge, %add3A_70, %ge3A : vector<320x1xi32>
    %add3A_76 = arith.constant 0 : i32
    %add3A_77 = arith.addi %mul3A_0, %add3A_76 : i32
    %add3A_78 = arith.constant 1 : i32
    %add3A_79 = arith.addi %add3A_77, %add3A_78 : i32
    %get3A_80 = arith.index_cast %add3A_79 : i32 to index
    %get3A_81 = memref.load %arg1[%get3A_80] : memref<10001xi32, #tpu.memory_space<smem>>
    %lt3A_82 = vector.broadcast %get3A_81 : i32 to vector<320x1xi32>
    %lt3A_83 = arith.cmpi slt, %add3A_70, %lt3A_82 : vector<320x1xi32>
    %and3A_84 = arith.andi %ge3A_75, %lt3A_83 : vector<320x1xi1>
    %add3A_85 = arith.constant 1 : i32
    %add3A_86 = arith.addi %mul3A_0, %add3A_85 : i32
    %get3A_87 = arith.index_cast %add3A_86 : i32 to index
    %get3A_88 = memref.load %arg1[%get3A_87] : memref<10001xi32, #tpu.memory_space<smem>>
    %ge3A_89 = vector.broadcast %get3A_88 : i32 to vector<320x1xi32>
    %ge3A_90 = arith.cmpi sge, %add3A_70, %ge3A_89 : vector<320x1xi32>
    %add3A_91 = arith.constant 1 : i32
    %add3A_92 = arith.addi %mul3A_0, %add3A_91 : i32
    %add3A_93 = arith.constant 1 : i32
    %add3A_94 = arith.addi %add3A_92, %add3A_93 : i32
    %get3A_95 = arith.index_cast %add3A_94 : i32 to index
    %get3A_96 = memref.load %arg1[%get3A_95] : memref<10001xi32, #tpu.memory_space<smem>>
    %lt3A_97 = vector.broadcast %get3A_96 : i32 to vector<320x1xi32>
    %lt3A_98 = arith.cmpi slt, %add3A_70, %lt3A_97 : vector<320x1xi32>
    %and3A_99 = arith.andi %ge3A_90, %lt3A_98 : vector<320x1xi1>
    %add3A_100 = arith.constant 2 : i32
    %add3A_101 = arith.addi %mul3A_0, %add3A_100 : i32
    %get3A_102 = arith.index_cast %add3A_101 : i32 to index
    %get3A_103 = memref.load %arg1[%get3A_102] : memref<10001xi32, #tpu.memory_space<smem>>
    %ge3A_104 = vector.broadcast %get3A_103 : i32 to vector<320x1xi32>
    %ge3A_105 = arith.cmpi sge, %add3A_70, %ge3A_104 : vector<320x1xi32>
    %add3A_106 = arith.constant 2 : i32
    %add3A_107 = arith.addi %mul3A_0, %add3A_106 : i32
    %add3A_108 = arith.constant 1 : i32
    %add3A_109 = arith.addi %add3A_107, %add3A_108 : i32
    %get3A_110 = arith.index_cast %add3A_109 : i32 to index
    %get3A_111 = memref.load %arg1[%get3A_110] : memref<10001xi32, #tpu.memory_space<smem>>
    %lt3A_112 = vector.broadcast %get3A_111 : i32 to vector<320x1xi32>
    %lt3A_113 = arith.cmpi slt, %add3A_70, %lt3A_112 : vector<320x1xi32>
    %and3A_114 = arith.andi %ge3A_105, %lt3A_113 : vector<320x1xi1>
    %add3A_115 = arith.constant 3 : i32
    %add3A_116 = arith.addi %mul3A_0, %add3A_115 : i32
    %get3A_117 = arith.index_cast %add3A_116 : i32 to index
    %get3A_118 = memref.load %arg1[%get3A_117] : memref<10001xi32, #tpu.memory_space<smem>>
    %ge3A_119 = vector.broadcast %get3A_118 : i32 to vector<320x1xi32>
    %ge3A_120 = arith.cmpi sge, %add3A_70, %ge3A_119 : vector<320x1xi32>
    %add3A_121 = arith.constant 3 : i32
    %add3A_122 = arith.addi %mul3A_0, %add3A_121 : i32
    %add3A_123 = arith.constant 1 : i32
    %add3A_124 = arith.addi %add3A_122, %add3A_123 : i32
    %get3A_125 = arith.index_cast %add3A_124 : i32 to index
    %get3A_126 = memref.load %arg1[%get3A_125] : memref<10001xi32, #tpu.memory_space<smem>>
    %lt3A_127 = vector.broadcast %get3A_126 : i32 to vector<320x1xi32>
    %lt3A_128 = arith.cmpi slt, %add3A_70, %lt3A_127 : vector<320x1xi32>
    %and3A_129 = arith.andi %ge3A_120, %lt3A_128 : vector<320x1xi1>
    %add3A_130 = arith.constant 4 : i32
    %add3A_131 = arith.addi %mul3A_0, %add3A_130 : i32
    %get3A_132 = arith.index_cast %add3A_131 : i32 to index
    %get3A_133 = memref.load %arg1[%get3A_132] : memref<10001xi32, #tpu.memory_space<smem>>
    %ge3A_134 = vector.broadcast %get3A_133 : i32 to vector<320x1xi32>
    %ge3A_135 = arith.cmpi sge, %add3A_70, %ge3A_134 : vector<320x1xi32>
    %add3A_136 = arith.constant 4 : i32
    %add3A_137 = arith.addi %mul3A_0, %add3A_136 : i32
    %add3A_138 = arith.constant 1 : i32
    %add3A_139 = arith.addi %add3A_137, %add3A_138 : i32
    %get3A_140 = arith.index_cast %add3A_139 : i32 to index
    %get3A_141 = memref.load %arg1[%get3A_140] : memref<10001xi32, #tpu.memory_space<smem>>
    %lt3A_142 = vector.broadcast %get3A_141 : i32 to vector<320x1xi32>
    %lt3A_143 = arith.cmpi slt, %add3A_70, %lt3A_142 : vector<320x1xi32>
    %and3A_144 = arith.andi %ge3A_135, %lt3A_143 : vector<320x1xi1>
    %add3A_145 = arith.constant 5 : i32
    %add3A_146 = arith.addi %mul3A_0, %add3A_145 : i32
    %get3A_147 = arith.index_cast %add3A_146 : i32 to index
    %get3A_148 = memref.load %arg1[%get3A_147] : memref<10001xi32, #tpu.memory_space<smem>>
    %ge3A_149 = vector.broadcast %get3A_148 : i32 to vector<320x1xi32>
    %ge3A_150 = arith.cmpi sge, %add3A_70, %ge3A_149 : vector<320x1xi32>
    %add3A_151 = arith.constant 5 : i32
    %add3A_152 = arith.addi %mul3A_0, %add3A_151 : i32
    %add3A_153 = arith.constant 1 : i32
    %add3A_154 = arith.addi %add3A_152, %add3A_153 : i32
    %get3A_155 = arith.index_cast %add3A_154 : i32 to index
    %get3A_156 = memref.load %arg1[%get3A_155] : memref<10001xi32, #tpu.memory_space<smem>>
    %lt3A_157 = vector.broadcast %get3A_156 : i32 to vector<320x1xi32>
    %lt3A_158 = arith.cmpi slt, %add3A_70, %lt3A_157 : vector<320x1xi32>
    %and3A_159 = arith.andi %ge3A_150, %lt3A_158 : vector<320x1xi1>
    %add3A_160 = arith.constant 6 : i32
    %add3A_161 = arith.addi %mul3A_0, %add3A_160 : i32
    %get3A_162 = arith.index_cast %add3A_161 : i32 to index
    %get3A_163 = memref.load %arg1[%get3A_162] : memref<10001xi32, #tpu.memory_space<smem>>
    %ge3A_164 = vector.broadcast %get3A_163 : i32 to vector<320x1xi32>
    %ge3A_165 = arith.cmpi sge, %add3A_70, %ge3A_164 : vector<320x1xi32>
    %add3A_166 = arith.constant 6 : i32
    %add3A_167 = arith.addi %mul3A_0, %add3A_166 : i32
    %add3A_168 = arith.constant 1 : i32
    %add3A_169 = arith.addi %add3A_167, %add3A_168 : i32
    %get3A_170 = arith.index_cast %add3A_169 : i32 to index
    %get3A_171 = memref.load %arg1[%get3A_170] : memref<10001xi32, #tpu.memory_space<smem>>
    %lt3A_172 = vector.broadcast %get3A_171 : i32 to vector<320x1xi32>
    %lt3A_173 = arith.cmpi slt, %add3A_70, %lt3A_172 : vector<320x1xi32>
    %and3A_174 = arith.andi %ge3A_165, %lt3A_173 : vector<320x1xi1>
    %add3A_175 = arith.constant 7 : i32
    %add3A_176 = arith.addi %mul3A_0, %add3A_175 : i32
    %get3A_177 = arith.index_cast %add3A_176 : i32 to index
    %get3A_178 = memref.load %arg1[%get3A_177] : memref<10001xi32, #tpu.memory_space<smem>>
    %ge3A_179 = vector.broadcast %get3A_178 : i32 to vector<320x1xi32>
    %ge3A_180 = arith.cmpi sge, %add3A_70, %ge3A_179 : vector<320x1xi32>
    %add3A_181 = arith.constant 7 : i32
    %add3A_182 = arith.addi %mul3A_0, %add3A_181 : i32
    %add3A_183 = arith.constant 1 : i32
    %add3A_184 = arith.addi %add3A_182, %add3A_183 : i32
    %get3A_185 = arith.index_cast %add3A_184 : i32 to index
    %get3A_186 = memref.load %arg1[%get3A_185] : memref<10001xi32, #tpu.memory_space<smem>>
    %lt3A_187 = vector.broadcast %get3A_186 : i32 to vector<320x1xi32>
    %lt3A_188 = arith.cmpi slt, %add3A_70, %lt3A_187 : vector<320x1xi32>
    %and3A_189 = arith.andi %ge3A_180, %lt3A_188 : vector<320x1xi1>
    %convert_element_type3A_190 = arith.extui %and3A_84 : vector<320x1xi1> to vector<320x1xi32>
    %convert_element_type3A_191 = arith.sitofp %convert_element_type3A_190 : vector<320x1xi32> to vector<320x1xf32>
    %convert_element_type3A_192 = arith.extui %and3A_99 : vector<320x1xi1> to vector<320x1xi32>
    %convert_element_type3A_193 = arith.sitofp %convert_element_type3A_192 : vector<320x1xi32> to vector<320x1xf32>
    %convert_element_type3A_194 = arith.extui %and3A_114 : vector<320x1xi1> to vector<320x1xi32>
    %convert_element_type3A_195 = arith.sitofp %convert_element_type3A_194 : vector<320x1xi32> to vector<320x1xf32>
    %convert_element_type3A_196 = arith.extui %and3A_129 : vector<320x1xi1> to vector<320x1xi32>
    %convert_element_type3A_197 = arith.sitofp %convert_element_type3A_196 : vector<320x1xi32> to vector<320x1xf32>
    %convert_element_type3A_198 = arith.extui %and3A_144 : vector<320x1xi1> to vector<320x1xi32>
    %convert_element_type3A_199 = arith.sitofp %convert_element_type3A_198 : vector<320x1xi32> to vector<320x1xf32>
    %convert_element_type3A_200 = arith.extui %and3A_159 : vector<320x1xi1> to vector<320x1xi32>
    %convert_element_type3A_201 = arith.sitofp %convert_element_type3A_200 : vector<320x1xi32> to vector<320x1xf32>
    %convert_element_type3A_202 = arith.extui %and3A_174 : vector<320x1xi1> to vector<320x1xi32>
    %convert_element_type3A_203 = arith.sitofp %convert_element_type3A_202 : vector<320x1xi32> to vector<320x1xf32>
    %convert_element_type3A_204 = arith.extui %and3A_189 : vector<320x1xi1> to vector<320x1xi32>
    %convert_element_type3A_205 = arith.sitofp %convert_element_type3A_204 : vector<320x1xi32> to vector<320x1xf32>
    %concatenate3A = tpu.concatenate %convert_element_type3A_191, %convert_element_type3A_193, %convert_element_type3A_195, %convert_element_type3A_197, %convert_element_type3A_199, %convert_element_type3A_201, %convert_element_type3A_203, %convert_element_type3A_205 in 1 : vector<320x1xf32>, vector<320x1xf32>, vector<320x1xf32>, vector<320x1xf32>, vector<320x1xf32>, vector<320x1xf32>, vector<320x1xf32>, vector<320x1xf32> -> vector<320x8xf32>
    %get3A_206 = arith.index_cast %mul3A_68 : i32 to index
    %get3A_207 = arith.constant 0 : index
    %get3A_208 = vector.load %arg12[%get3A_206, %get3A_207] : memref<640x256xf32, #tpu.memory_space<vmem>>, vector<320x128xf32>
    %get3A_209 = arith.index_cast %mul3A_68 : i32 to index
    %get3A_210 = arith.constant 128 : index
    %get3A_211 = vector.load %arg12[%get3A_209, %get3A_210] : memref<640x256xf32, #tpu.memory_space<vmem>>, vector<320x4xf32>
    %dot_general3A = arith.constant dense<0.000000e+00> : vector<320x128xf32>
    %dot_general3A_212 = tpu.matmul %concatenate3A, %get3A_44, %dot_general3A {dimension_numbers = #tpu.dot_dimension_numbers<[1], [0], [0], [1], [0, 0, 1, 1], [], []>, transpose_lhs_hint = false} : vector<320x8xf32>, vector<8x128xf32>, vector<320x128xf32> -> vector<320x128xf32>
    %dot_general3A_213 = arith.constant dense<0.000000e+00> : vector<320x2xf32>
    %dot_general3A_214 = tpu.matmul %concatenate3A, %get3A_47, %dot_general3A_213 {dimension_numbers = #tpu.dot_dimension_numbers<[1], [0], [0], [1], [0, 0, 1, 1], [], []>, transpose_lhs_hint = false} : vector<320x8xf32>, vector<8x2xf32>, vector<320x2xf32> -> vector<320x2xf32>
    %add3A_215 = arith.addf %dot_general3A_212, %get3A_208 : vector<320x128xf32>
    %slice3A = vector.extract_strided_slice %dot_general3A_214 {offsets = [0, 0], sizes = [320, 1], strides = [1, 1]} : vector<320x2xf32> to vector<320x1xf32>
    %get3A_216 = arith.constant 0 : index
    %get3A_217 = arith.constant 0 : index
    %get3A_218 = vector.load %arg5[%get3A_216, %get3A_217] : memref<4x128xf32, #tpu.memory_space<vmem>>, vector<4x128xf32>
    %dot_general3A_219 = arith.constant dense<0.000000e+00> : vector<320x128xf32>
    %dot_general3A_220 = tpu.matmul %get3A_211, %get3A_218, %dot_general3A_219 {dimension_numbers = #tpu.dot_dimension_numbers<[1], [0], [0], [1], [0, 0, 1, 1], [], []>, transpose_lhs_hint = false} : vector<320x4xf32>, vector<4x128xf32>, vector<320x128xf32> -> vector<320x128xf32>
    %mul3A_221 = vector.broadcast %slice3A : vector<320x1xf32> to vector<320x128xf32>
    %mul3A_222 = arith.mulf %mul3A_221, %dot_general3A_220 : vector<320x128xf32>
    %add3A_223 = arith.addf %add3A_215, %mul3A_222 : vector<320x128xf32>
    %slice3A_224 = vector.extract_strided_slice %dot_general3A_214 {offsets = [0, 1], sizes = [320, 1], strides = [1, 1]} : vector<320x2xf32> to vector<320x1xf32>
    %get3A_225 = arith.constant 0 : index
    %get3A_226 = arith.constant 0 : index
    %get3A_227 = vector.load %arg6[%get3A_225, %get3A_226] : memref<4x128xf32, #tpu.memory_space<vmem>>, vector<4x128xf32>
    %dot_general3A_228 = arith.constant dense<0.000000e+00> : vector<320x128xf32>
    %dot_general3A_229 = tpu.matmul %get3A_211, %get3A_227, %dot_general3A_228 {dimension_numbers = #tpu.dot_dimension_numbers<[1], [0], [0], [1], [0, 0, 1, 1], [], []>, transpose_lhs_hint = false} : vector<320x4xf32>, vector<4x128xf32>, vector<320x128xf32> -> vector<320x128xf32>
    %mul3A_230 = vector.broadcast %slice3A_224 : vector<320x1xf32> to vector<320x128xf32>
    %mul3A_231 = arith.mulf %mul3A_230, %dot_general3A_229 : vector<320x128xf32>
    %add3A_232 = arith.addf %add3A_223, %mul3A_231 : vector<320x128xf32>
    %max3A = arith.constant 0.000000e+00 : f32
    %max3A_233 = vector.broadcast %max3A : f32 to vector<320x128xf32>
    %max3A_234 = arith.maximumf %add3A_232, %max3A_233 : vector<320x128xf32>
    %convert_element_type3A_235 = arith.truncf %max3A_234 : vector<320x128xf32> to vector<320x128xbf16>
    %get3A_236 = arith.constant 0 : index
    %get3A_237 = arith.constant 0 : index
    %get3A_238 = vector.load %arg7[%get3A_236, %get3A_237] : memref<128x128xbf16, #tpu.memory_space<vmem>>, vector<128x128xbf16>
    %dot_general3A_239 = arith.constant dense<0.000000e+00> : vector<320x128xf32>
    %dot_general3A_240 = tpu.matmul %convert_element_type3A_235, %get3A_238, %dot_general3A_239 {dimension_numbers = #tpu.dot_dimension_numbers<[1], [0], [0], [1], [0, 0, 1, 1], [], []>, transpose_lhs_hint = false} : vector<320x128xbf16>, vector<128x128xbf16>, vector<320x128xf32> -> vector<320x128xf32>
    %get3A_241 = arith.constant 0 : index
    %get3A_242 = arith.constant 0 : index
    %get3A_243 = vector.load %arg8[%get3A_241, %get3A_242] : memref<1x128xf32, #tpu.memory_space<vmem>>, vector<1x128xf32>
    %add3A_244 = vector.broadcast %get3A_243 : vector<1x128xf32> to vector<320x128xf32>
    %add3A_245 = arith.addf %dot_general3A_240, %add3A_244 : vector<320x128xf32>
    %max3A_246 = arith.constant 0.000000e+00 : f32
    %max3A_247 = vector.broadcast %max3A_246 : f32 to vector<320x128xf32>
    %max3A_248 = arith.maximumf %add3A_245, %max3A_247 : vector<320x128xf32>
    %convert_element_type3A_249 = arith.truncf %max3A_248 : vector<320x128xf32> to vector<320x128xbf16>
    %get3A_250 = arith.constant 0 : index
    %get3A_251 = arith.constant 0 : index
    %get3A_252 = vector.load %arg9[%get3A_250, %get3A_251] : memref<128x128xbf16, #tpu.memory_space<vmem>>, vector<128x128xbf16>
    %dot_general3A_253 = arith.constant dense<0.000000e+00> : vector<320x128xf32>
    %dot_general3A_254 = tpu.matmul %convert_element_type3A_249, %get3A_252, %dot_general3A_253 {dimension_numbers = #tpu.dot_dimension_numbers<[1], [0], [0], [1], [0, 0, 1, 1], [], []>, transpose_lhs_hint = false} : vector<320x128xbf16>, vector<128x128xbf16>, vector<320x128xf32> -> vector<320x128xf32>
    %get3A_255 = arith.constant 0 : index
    %get3A_256 = arith.constant 0 : index
    %get3A_257 = vector.load %arg10[%get3A_255, %get3A_256] : memref<1x128xf32, #tpu.memory_space<vmem>>, vector<1x128xf32>
    %add3A_258 = vector.broadcast %get3A_257 : vector<1x128xf32> to vector<320x128xf32>
    %add3A_259 = arith.addf %dot_general3A_254, %add3A_258 : vector<320x128xf32>
    %jit3A_260 = arith.constant 0xFF800000 : f32
    %broadcast_in_dim3A_261 = vector.shape_cast %and3A_84 : vector<320x1xi1> to vector<320x1xi1>
    %broadcast_in_dim3A_262 = vector.broadcast %broadcast_in_dim3A_261 : vector<320x1xi1> to vector<320x128xi1>
    %broadcast_in_dim3A_263 = vector.broadcast %jit3A_260 : f32 to vector<320x128xf32>
    %select_n3A_264 = arith.select %broadcast_in_dim3A_262, %add3A_259, %broadcast_in_dim3A_263 : vector<320x128xi1>, vector<320x128xf32>
    %reduce_max3A = arith.constant dense<0xFF800000> : vector<128xf32>
    %reduce_max3A_265 = vector.multi_reduction <maximumf>, %select_n3A_264, %reduce_max3A [0] : vector<320x128xf32> to vector<128xf32>
    %broadcast_in_dim3A_266 = vector.shape_cast %reduce_max3A_265 : vector<128xf32> to vector<1x128xf32>
    %max3A_267 = arith.maximumf %broadcast_in_dim3A_52, %broadcast_in_dim3A_266 : vector<1x128xf32>
    %jit3A_268 = arith.constant 0xFF800000 : f32
    %broadcast_in_dim3A_269 = vector.shape_cast %and3A_99 : vector<320x1xi1> to vector<320x1xi1>
    %broadcast_in_dim3A_270 = vector.broadcast %broadcast_in_dim3A_269 : vector<320x1xi1> to vector<320x128xi1>
    %broadcast_in_dim3A_271 = vector.broadcast %jit3A_268 : f32 to vector<320x128xf32>
    %select_n3A_272 = arith.select %broadcast_in_dim3A_270, %add3A_259, %broadcast_in_dim3A_271 : vector<320x128xi1>, vector<320x128xf32>
    %reduce_max3A_273 = arith.constant dense<0xFF800000> : vector<128xf32>
    %reduce_max3A_274 = vector.multi_reduction <maximumf>, %select_n3A_272, %reduce_max3A_273 [0] : vector<320x128xf32> to vector<128xf32>
    %broadcast_in_dim3A_275 = vector.shape_cast %reduce_max3A_274 : vector<128xf32> to vector<1x128xf32>
    %max3A_276 = arith.maximumf %broadcast_in_dim3A_54, %broadcast_in_dim3A_275 : vector<1x128xf32>
    %jit3A_277 = arith.constant 0xFF800000 : f32
    %broadcast_in_dim3A_278 = vector.shape_cast %and3A_114 : vector<320x1xi1> to vector<320x1xi1>
    %broadcast_in_dim3A_279 = vector.broadcast %broadcast_in_dim3A_278 : vector<320x1xi1> to vector<320x128xi1>
    %broadcast_in_dim3A_280 = vector.broadcast %jit3A_277 : f32 to vector<320x128xf32>
    %select_n3A_281 = arith.select %broadcast_in_dim3A_279, %add3A_259, %broadcast_in_dim3A_280 : vector<320x128xi1>, vector<320x128xf32>
    %reduce_max3A_282 = arith.constant dense<0xFF800000> : vector<128xf32>
    %reduce_max3A_283 = vector.multi_reduction <maximumf>, %select_n3A_281, %reduce_max3A_282 [0] : vector<320x128xf32> to vector<128xf32>
    %broadcast_in_dim3A_284 = vector.shape_cast %reduce_max3A_283 : vector<128xf32> to vector<1x128xf32>
    %max3A_285 = arith.maximumf %broadcast_in_dim3A_56, %broadcast_in_dim3A_284 : vector<1x128xf32>
    %jit3A_286 = arith.constant 0xFF800000 : f32
    %broadcast_in_dim3A_287 = vector.shape_cast %and3A_129 : vector<320x1xi1> to vector<320x1xi1>
    %broadcast_in_dim3A_288 = vector.broadcast %broadcast_in_dim3A_287 : vector<320x1xi1> to vector<320x128xi1>
    %broadcast_in_dim3A_289 = vector.broadcast %jit3A_286 : f32 to vector<320x128xf32>
    %select_n3A_290 = arith.select %broadcast_in_dim3A_288, %add3A_259, %broadcast_in_dim3A_289 : vector<320x128xi1>, vector<320x128xf32>
    %reduce_max3A_291 = arith.constant dense<0xFF800000> : vector<128xf32>
    %reduce_max3A_292 = vector.multi_reduction <maximumf>, %select_n3A_290, %reduce_max3A_291 [0] : vector<320x128xf32> to vector<128xf32>
    %broadcast_in_dim3A_293 = vector.shape_cast %reduce_max3A_292 : vector<128xf32> to vector<1x128xf32>
    %max3A_294 = arith.maximumf %broadcast_in_dim3A_58, %broadcast_in_dim3A_293 : vector<1x128xf32>
    %jit3A_295 = arith.constant 0xFF800000 : f32
    %broadcast_in_dim3A_296 = vector.shape_cast %and3A_144 : vector<320x1xi1> to vector<320x1xi1>
    %broadcast_in_dim3A_297 = vector.broadcast %broadcast_in_dim3A_296 : vector<320x1xi1> to vector<320x128xi1>
    %broadcast_in_dim3A_298 = vector.broadcast %jit3A_295 : f32 to vector<320x128xf32>
    %select_n3A_299 = arith.select %broadcast_in_dim3A_297, %add3A_259, %broadcast_in_dim3A_298 : vector<320x128xi1>, vector<320x128xf32>
    %reduce_max3A_300 = arith.constant dense<0xFF800000> : vector<128xf32>
    %reduce_max3A_301 = vector.multi_reduction <maximumf>, %select_n3A_299, %reduce_max3A_300 [0] : vector<320x128xf32> to vector<128xf32>
    %broadcast_in_dim3A_302 = vector.shape_cast %reduce_max3A_301 : vector<128xf32> to vector<1x128xf32>
    %max3A_303 = arith.maximumf %broadcast_in_dim3A_60, %broadcast_in_dim3A_302 : vector<1x128xf32>
    %jit3A_304 = arith.constant 0xFF800000 : f32
    %broadcast_in_dim3A_305 = vector.shape_cast %and3A_159 : vector<320x1xi1> to vector<320x1xi1>
    %broadcast_in_dim3A_306 = vector.broadcast %broadcast_in_dim3A_305 : vector<320x1xi1> to vector<320x128xi1>
    %broadcast_in_dim3A_307 = vector.broadcast %jit3A_304 : f32 to vector<320x128xf32>
    %select_n3A_308 = arith.select %broadcast_in_dim3A_306, %add3A_259, %broadcast_in_dim3A_307 : vector<320x128xi1>, vector<320x128xf32>
    %reduce_max3A_309 = arith.constant dense<0xFF800000> : vector<128xf32>
    %reduce_max3A_310 = vector.multi_reduction <maximumf>, %select_n3A_308, %reduce_max3A_309 [0] : vector<320x128xf32> to vector<128xf32>
    %broadcast_in_dim3A_311 = vector.shape_cast %reduce_max3A_310 : vector<128xf32> to vector<1x128xf32>
    %max3A_312 = arith.maximumf %broadcast_in_dim3A_62, %broadcast_in_dim3A_311 : vector<1x128xf32>
    %jit3A_313 = arith.constant 0xFF800000 : f32
    %broadcast_in_dim3A_314 = vector.shape_cast %and3A_174 : vector<320x1xi1> to vector<320x1xi1>
    %broadcast_in_dim3A_315 = vector.broadcast %broadcast_in_dim3A_314 : vector<320x1xi1> to vector<320x128xi1>
    %broadcast_in_dim3A_316 = vector.broadcast %jit3A_313 : f32 to vector<320x128xf32>
    %select_n3A_317 = arith.select %broadcast_in_dim3A_315, %add3A_259, %broadcast_in_dim3A_316 : vector<320x128xi1>, vector<320x128xf32>
    %reduce_max3A_318 = arith.constant dense<0xFF800000> : vector<128xf32>
    %reduce_max3A_319 = vector.multi_reduction <maximumf>, %select_n3A_317, %reduce_max3A_318 [0] : vector<320x128xf32> to vector<128xf32>
    %broadcast_in_dim3A_320 = vector.shape_cast %reduce_max3A_319 : vector<128xf32> to vector<1x128xf32>
    %max3A_321 = arith.maximumf %broadcast_in_dim3A_64, %broadcast_in_dim3A_320 : vector<1x128xf32>
    %jit3A_322 = arith.constant 0xFF800000 : f32
    %broadcast_in_dim3A_323 = vector.shape_cast %and3A_189 : vector<320x1xi1> to vector<320x1xi1>
    %broadcast_in_dim3A_324 = vector.broadcast %broadcast_in_dim3A_323 : vector<320x1xi1> to vector<320x128xi1>
    %broadcast_in_dim3A_325 = vector.broadcast %jit3A_322 : f32 to vector<320x128xf32>
    %select_n3A_326 = arith.select %broadcast_in_dim3A_324, %add3A_259, %broadcast_in_dim3A_325 : vector<320x128xi1>, vector<320x128xf32>
    %reduce_max3A_327 = arith.constant dense<0xFF800000> : vector<128xf32>
    %reduce_max3A_328 = vector.multi_reduction <maximumf>, %select_n3A_326, %reduce_max3A_327 [0] : vector<320x128xf32> to vector<128xf32>
    %broadcast_in_dim3A_329 = vector.shape_cast %reduce_max3A_328 : vector<128xf32> to vector<1x128xf32>
    %max3A_330 = arith.maximumf %broadcast_in_dim3A_66, %broadcast_in_dim3A_329 : vector<1x128xf32>
    %sub3A_331 = arith.subi %get3A_51, %mul3A_26 : i32
    %sub3A_332 = arith.constant 320 : i32
    %sub3A_333 = arith.subi %sub3A_331, %sub3A_332 : i32
    %max3A_334 = arith.constant 0 : i32
    %max3A_335 = arith.maxsi %sub3A_333, %max3A_334 : i32
    %add3A_336 = arith.constant 319 : i32
    %add3A_337 = arith.addi %max3A_335, %add3A_336 : i32
    %div3A_338 = arith.constant 320 : i32
    %div3A_339 = arith.divsi %add3A_337, %div3A_338 : i32
    %while3A = arith.constant 0 : i32
    %while3A_340 = arith.subi %div3A_339, %while3A : i32
    %while3A_341 = arith.addi %while3A, %while3A_340 : i32
    %while3A_342 = arith.constant 1 : i32
    %while3A_343 = arith.divsi %while3A_340, %while3A_342 : i32
    %while3A_344 = arith.muli %while3A_343, %while3A_342 : i32
    %while3A_345 = arith.addi %while3A, %while3A_344 : i32
    %while3A_346 = arith.constant 1 : i32
    %while3A_347:8 = scf.for %while3A_359 = %while3A to %while3A_345 step %while3A_346 iter_args(%while3A_360 = %max3A_267, %while3A_361 = %max3A_276, %while3A_362 = %max3A_285, %while3A_363 = %max3A_294, %while3A_364 = %max3A_303, %while3A_365 = %max3A_312, %while3A_366 = %max3A_321, %while3A_367 = %max3A_330) -> (vector<1x128xf32>, vector<1x128xf32>, vector<1x128xf32>, vector<1x128xf32>, vector<1x128xf32>, vector<1x128xf32>, vector<1x128xf32>, vector<1x128xf32>)  : i32 {
      %add3A_368 = arith.constant 1 : i32
      %add3A_369 = arith.addi %while3A_359, %add3A_368 : i32
      %mul3A_370 = arith.constant 320 : i32
      %mul3A_371 = arith.muli %add3A_369, %mul3A_370 : i32
      %add3A_372 = arith.addi %mul3A_26, %mul3A_371 : i32
      %dma_start3A = arith.constant 0 : i32
      %dma_start3A_373 = tpu.memref_slice %arg2[%add3A_372, %dma_start3A] : memref<323584x256xf32, #tpu.memory_space<any>> -> memref<320x256xf32, #tpu.memory_space<any>>
      tpu.enqueue_dma source(%dma_start3A_373 : memref<320x256xf32, #tpu.memory_space<any>>) target(%arg14 : memref<320x256xf32, #tpu.memory_space<vmem>>) target_semaphore(%arg15 : memref<!tpu.dma_semaphore, #tpu.memory_space<semaphore_mem>>)
      %dma_wait3A_374 = arith.constant 0 : i32
      %dma_wait3A_375 = tpu.memref_slice %arg2[%add3A_372, %dma_wait3A_374] : memref<323584x256xf32, #tpu.memory_space<any>> -> memref<320x256xf32, #tpu.memory_space<any>>
      tpu.wait_dma2 semaphore(%arg15 : memref<!tpu.dma_semaphore, #tpu.memory_space<semaphore_mem>>) src(%dma_wait3A_375 : memref<320x256xf32, #tpu.memory_space<any>>) dst(%arg14 : memref<320x256xf32, #tpu.memory_space<vmem>>)
      %iota3A_376 = tpu.iota {dimensions = array<i32: 0>} : vector<320x1xi32>
      %add3A_377 = vector.broadcast %add3A_372 : i32 to vector<320x1xi32>
      %add3A_378 = arith.addi %iota3A_376, %add3A_377 : vector<320x1xi32>
      %add3A_379 = arith.constant 0 : i32
      %add3A_380 = arith.addi %mul3A_0, %add3A_379 : i32
      %get3A_381 = arith.index_cast %add3A_380 : i32 to index
      %get3A_382 = memref.load %arg1[%get3A_381] : memref<10001xi32, #tpu.memory_space<smem>>
      %ge3A_383 = vector.broadcast %get3A_382 : i32 to vector<320x1xi32>
      %ge3A_384 = arith.cmpi sge, %add3A_378, %ge3A_383 : vector<320x1xi32>
      %add3A_385 = arith.constant 0 : i32
      %add3A_386 = arith.addi %mul3A_0, %add3A_385 : i32
      %add3A_387 = arith.constant 1 : i32
      %add3A_388 = arith.addi %add3A_386, %add3A_387 : i32
      %get3A_389 = arith.index_cast %add3A_388 : i32 to index
      %get3A_390 = memref.load %arg1[%get3A_389] : memref<10001xi32, #tpu.memory_space<smem>>
      %lt3A_391 = vector.broadcast %get3A_390 : i32 to vector<320x1xi32>
      %lt3A_392 = arith.cmpi slt, %add3A_378, %lt3A_391 : vector<320x1xi32>
      %and3A_393 = arith.andi %ge3A_384, %lt3A_392 : vector<320x1xi1>
      %add3A_394 = arith.constant 1 : i32
      %add3A_395 = arith.addi %mul3A_0, %add3A_394 : i32
      %get3A_396 = arith.index_cast %add3A_395 : i32 to index
      %get3A_397 = memref.load %arg1[%get3A_396] : memref<10001xi32, #tpu.memory_space<smem>>
      %ge3A_398 = vector.broadcast %get3A_397 : i32 to vector<320x1xi32>
      %ge3A_399 = arith.cmpi sge, %add3A_378, %ge3A_398 : vector<320x1xi32>
      %add3A_400 = arith.constant 1 : i32
      %add3A_401 = arith.addi %mul3A_0, %add3A_400 : i32
      %add3A_402 = arith.constant 1 : i32
      %add3A_403 = arith.addi %add3A_401, %add3A_402 : i32
      %get3A_404 = arith.index_cast %add3A_403 : i32 to index
      %get3A_405 = memref.load %arg1[%get3A_404] : memref<10001xi32, #tpu.memory_space<smem>>
      %lt3A_406 = vector.broadcast %get3A_405 : i32 to vector<320x1xi32>
      %lt3A_407 = arith.cmpi slt, %add3A_378, %lt3A_406 : vector<320x1xi32>
      %and3A_408 = arith.andi %ge3A_399, %lt3A_407 : vector<320x1xi1>
      %add3A_409 = arith.constant 2 : i32
      %add3A_410 = arith.addi %mul3A_0, %add3A_409 : i32
      %get3A_411 = arith.index_cast %add3A_410 : i32 to index
      %get3A_412 = memref.load %arg1[%get3A_411] : memref<10001xi32, #tpu.memory_space<smem>>
      %ge3A_413 = vector.broadcast %get3A_412 : i32 to vector<320x1xi32>
      %ge3A_414 = arith.cmpi sge, %add3A_378, %ge3A_413 : vector<320x1xi32>
      %add3A_415 = arith.constant 2 : i32
      %add3A_416 = arith.addi %mul3A_0, %add3A_415 : i32
      %add3A_417 = arith.constant 1 : i32
      %add3A_418 = arith.addi %add3A_416, %add3A_417 : i32
      %get3A_419 = arith.index_cast %add3A_418 : i32 to index
      %get3A_420 = memref.load %arg1[%get3A_419] : memref<10001xi32, #tpu.memory_space<smem>>
      %lt3A_421 = vector.broadcast %get3A_420 : i32 to vector<320x1xi32>
      %lt3A_422 = arith.cmpi slt, %add3A_378, %lt3A_421 : vector<320x1xi32>
      %and3A_423 = arith.andi %ge3A_414, %lt3A_422 : vector<320x1xi1>
      %add3A_424 = arith.constant 3 : i32
      %add3A_425 = arith.addi %mul3A_0, %add3A_424 : i32
      %get3A_426 = arith.index_cast %add3A_425 : i32 to index
      %get3A_427 = memref.load %arg1[%get3A_426] : memref<10001xi32, #tpu.memory_space<smem>>
      %ge3A_428 = vector.broadcast %get3A_427 : i32 to vector<320x1xi32>
      %ge3A_429 = arith.cmpi sge, %add3A_378, %ge3A_428 : vector<320x1xi32>
      %add3A_430 = arith.constant 3 : i32
      %add3A_431 = arith.addi %mul3A_0, %add3A_430 : i32
      %add3A_432 = arith.constant 1 : i32
      %add3A_433 = arith.addi %add3A_431, %add3A_432 : i32
      %get3A_434 = arith.index_cast %add3A_433 : i32 to index
      %get3A_435 = memref.load %arg1[%get3A_434] : memref<10001xi32, #tpu.memory_space<smem>>
      %lt3A_436 = vector.broadcast %get3A_435 : i32 to vector<320x1xi32>
      %lt3A_437 = arith.cmpi slt, %add3A_378, %lt3A_436 : vector<320x1xi32>
      %and3A_438 = arith.andi %ge3A_429, %lt3A_437 : vector<320x1xi1>
      %add3A_439 = arith.constant 4 : i32
      %add3A_440 = arith.addi %mul3A_0, %add3A_439 : i32
      %get3A_441 = arith.index_cast %add3A_440 : i32 to index
      %get3A_442 = memref.load %arg1[%get3A_441] : memref<10001xi32, #tpu.memory_space<smem>>
      %ge3A_443 = vector.broadcast %get3A_442 : i32 to vector<320x1xi32>
      %ge3A_444 = arith.cmpi sge, %add3A_378, %ge3A_443 : vector<320x1xi32>
      %add3A_445 = arith.constant 4 : i32
      %add3A_446 = arith.addi %mul3A_0, %add3A_445 : i32
      %add3A_447 = arith.constant 1 : i32
      %add3A_448 = arith.addi %add3A_446, %add3A_447 : i32
      %get3A_449 = arith.index_cast %add3A_448 : i32 to index
      %get3A_450 = memref.load %arg1[%get3A_449] : memref<10001xi32, #tpu.memory_space<smem>>
      %lt3A_451 = vector.broadcast %get3A_450 : i32 to vector<320x1xi32>
      %lt3A_452 = arith.cmpi slt, %add3A_378, %lt3A_451 : vector<320x1xi32>
      %and3A_453 = arith.andi %ge3A_444, %lt3A_452 : vector<320x1xi1>
      %add3A_454 = arith.constant 5 : i32
      %add3A_455 = arith.addi %mul3A_0, %add3A_454 : i32
      %get3A_456 = arith.index_cast %add3A_455 : i32 to index
      %get3A_457 = memref.load %arg1[%get3A_456] : memref<10001xi32, #tpu.memory_space<smem>>
      %ge3A_458 = vector.broadcast %get3A_457 : i32 to vector<320x1xi32>
      %ge3A_459 = arith.cmpi sge, %add3A_378, %ge3A_458 : vector<320x1xi32>
      %add3A_460 = arith.constant 5 : i32
      %add3A_461 = arith.addi %mul3A_0, %add3A_460 : i32
      %add3A_462 = arith.constant 1 : i32
      %add3A_463 = arith.addi %add3A_461, %add3A_462 : i32
      %get3A_464 = arith.index_cast %add3A_463 : i32 to index
      %get3A_465 = memref.load %arg1[%get3A_464] : memref<10001xi32, #tpu.memory_space<smem>>
      %lt3A_466 = vector.broadcast %get3A_465 : i32 to vector<320x1xi32>
      %lt3A_467 = arith.cmpi slt, %add3A_378, %lt3A_466 : vector<320x1xi32>
      %and3A_468 = arith.andi %ge3A_459, %lt3A_467 : vector<320x1xi1>
      %add3A_469 = arith.constant 6 : i32
      %add3A_470 = arith.addi %mul3A_0, %add3A_469 : i32
      %get3A_471 = arith.index_cast %add3A_470 : i32 to index
      %get3A_472 = memref.load %arg1[%get3A_471] : memref<10001xi32, #tpu.memory_space<smem>>
      %ge3A_473 = vector.broadcast %get3A_472 : i32 to vector<320x1xi32>
      %ge3A_474 = arith.cmpi sge, %add3A_378, %ge3A_473 : vector<320x1xi32>
      %add3A_475 = arith.constant 6 : i32
      %add3A_476 = arith.addi %mul3A_0, %add3A_475 : i32
      %add3A_477 = arith.constant 1 : i32
      %add3A_478 = arith.addi %add3A_476, %add3A_477 : i32
      %get3A_479 = arith.index_cast %add3A_478 : i32 to index
      %get3A_480 = memref.load %arg1[%get3A_479] : memref<10001xi32, #tpu.memory_space<smem>>
      %lt3A_481 = vector.broadcast %get3A_480 : i32 to vector<320x1xi32>
      %lt3A_482 = arith.cmpi slt, %add3A_378, %lt3A_481 : vector<320x1xi32>
      %and3A_483 = arith.andi %ge3A_474, %lt3A_482 : vector<320x1xi1>
      %add3A_484 = arith.constant 7 : i32
      %add3A_485 = arith.addi %mul3A_0, %add3A_484 : i32
      %get3A_486 = arith.index_cast %add3A_485 : i32 to index
      %get3A_487 = memref.load %arg1[%get3A_486] : memref<10001xi32, #tpu.memory_space<smem>>
      %ge3A_488 = vector.broadcast %get3A_487 : i32 to vector<320x1xi32>
      %ge3A_489 = arith.cmpi sge, %add3A_378, %ge3A_488 : vector<320x1xi32>
      %add3A_490 = arith.constant 7 : i32
      %add3A_491 = arith.addi %mul3A_0, %add3A_490 : i32
      %add3A_492 = arith.constant 1 : i32
      %add3A_493 = arith.addi %add3A_491, %add3A_492 : i32
      %get3A_494 = arith.index_cast %add3A_493 : i32 to index
      %get3A_495 = memref.load %arg1[%get3A_494] : memref<10001xi32, #tpu.memory_space<smem>>
      %lt3A_496 = vector.broadcast %get3A_495 : i32 to vector<320x1xi32>
      %lt3A_497 = arith.cmpi slt, %add3A_378, %lt3A_496 : vector<320x1xi32>
      %and3A_498 = arith.andi %ge3A_489, %lt3A_497 : vector<320x1xi1>
      %convert_element_type3A_499 = arith.extui %and3A_393 : vector<320x1xi1> to vector<320x1xi32>
      %convert_element_type3A_500 = arith.sitofp %convert_element_type3A_499 : vector<320x1xi32> to vector<320x1xf32>
      %convert_element_type3A_501 = arith.extui %and3A_408 : vector<320x1xi1> to vector<320x1xi32>
      %convert_element_type3A_502 = arith.sitofp %convert_element_type3A_501 : vector<320x1xi32> to vector<320x1xf32>
      %convert_element_type3A_503 = arith.extui %and3A_423 : vector<320x1xi1> to vector<320x1xi32>
      %convert_element_type3A_504 = arith.sitofp %convert_element_type3A_503 : vector<320x1xi32> to vector<320x1xf32>
      %convert_element_type3A_505 = arith.extui %and3A_438 : vector<320x1xi1> to vector<320x1xi32>
      %convert_element_type3A_506 = arith.sitofp %convert_element_type3A_505 : vector<320x1xi32> to vector<320x1xf32>
      %convert_element_type3A_507 = arith.extui %and3A_453 : vector<320x1xi1> to vector<320x1xi32>
      %convert_element_type3A_508 = arith.sitofp %convert_element_type3A_507 : vector<320x1xi32> to vector<320x1xf32>
      %convert_element_type3A_509 = arith.extui %and3A_468 : vector<320x1xi1> to vector<320x1xi32>
      %convert_element_type3A_510 = arith.sitofp %convert_element_type3A_509 : vector<320x1xi32> to vector<320x1xf32>
      %convert_element_type3A_511 = arith.extui %and3A_483 : vector<320x1xi1> to vector<320x1xi32>
      %convert_element_type3A_512 = arith.sitofp %convert_element_type3A_511 : vector<320x1xi32> to vector<320x1xf32>
      %convert_element_type3A_513 = arith.extui %and3A_498 : vector<320x1xi1> to vector<320x1xi32>
      %convert_element_type3A_514 = arith.sitofp %convert_element_type3A_513 : vector<320x1xi32> to vector<320x1xf32>
      %concatenate3A_515 = tpu.concatenate %convert_element_type3A_500, %convert_element_type3A_502, %convert_element_type3A_504, %convert_element_type3A_506, %convert_element_type3A_508, %convert_element_type3A_510, %convert_element_type3A_512, %convert_element_type3A_514 in 1 : vector<320x1xf32>, vector<320x1xf32>, vector<320x1xf32>, vector<320x1xf32>, vector<320x1xf32>, vector<320x1xf32>, vector<320x1xf32>, vector<320x1xf32> -> vector<320x8xf32>
      %get3A_516 = arith.constant 0 : index
      %get3A_517 = arith.constant 0 : index
      %get3A_518 = vector.load %arg14[%get3A_516, %get3A_517] : memref<320x256xf32, #tpu.memory_space<vmem>>, vector<320x128xf32>
      %get3A_519 = arith.constant 0 : index
      %get3A_520 = arith.constant 128 : index
      %get3A_521 = vector.load %arg14[%get3A_519, %get3A_520] : memref<320x256xf32, #tpu.memory_space<vmem>>, vector<320x4xf32>
      %dot_general3A_522 = arith.constant dense<0.000000e+00> : vector<320x128xf32>
      %dot_general3A_523 = tpu.matmul %concatenate3A_515, %get3A_44, %dot_general3A_522 {dimension_numbers = #tpu.dot_dimension_numbers<[1], [0], [0], [1], [0, 0, 1, 1], [], []>, transpose_lhs_hint = false} : vector<320x8xf32>, vector<8x128xf32>, vector<320x128xf32> -> vector<320x128xf32>
      %dot_general3A_524 = arith.constant dense<0.000000e+00> : vector<320x2xf32>
      %dot_general3A_525 = tpu.matmul %concatenate3A_515, %get3A_47, %dot_general3A_524 {dimension_numbers = #tpu.dot_dimension_numbers<[1], [0], [0], [1], [0, 0, 1, 1], [], []>, transpose_lhs_hint = false} : vector<320x8xf32>, vector<8x2xf32>, vector<320x2xf32> -> vector<320x2xf32>
      %add3A_526 = arith.addf %dot_general3A_523, %get3A_518 : vector<320x128xf32>
      %slice3A_527 = vector.extract_strided_slice %dot_general3A_525 {offsets = [0, 0], sizes = [320, 1], strides = [1, 1]} : vector<320x2xf32> to vector<320x1xf32>
      %get3A_528 = arith.constant 0 : index
      %get3A_529 = arith.constant 0 : index
      %get3A_530 = vector.load %arg5[%get3A_528, %get3A_529] : memref<4x128xf32, #tpu.memory_space<vmem>>, vector<4x128xf32>
      %dot_general3A_531 = arith.constant dense<0.000000e+00> : vector<320x128xf32>
      %dot_general3A_532 = tpu.matmul %get3A_521, %get3A_530, %dot_general3A_531 {dimension_numbers = #tpu.dot_dimension_numbers<[1], [0], [0], [1], [0, 0, 1, 1], [], []>, transpose_lhs_hint = false} : vector<320x4xf32>, vector<4x128xf32>, vector<320x128xf32> -> vector<320x128xf32>
      %mul3A_533 = vector.broadcast %slice3A_527 : vector<320x1xf32> to vector<320x128xf32>
      %mul3A_534 = arith.mulf %mul3A_533, %dot_general3A_532 : vector<320x128xf32>
      %add3A_535 = arith.addf %add3A_526, %mul3A_534 : vector<320x128xf32>
      %slice3A_536 = vector.extract_strided_slice %dot_general3A_525 {offsets = [0, 1], sizes = [320, 1], strides = [1, 1]} : vector<320x2xf32> to vector<320x1xf32>
      %get3A_537 = arith.constant 0 : index
      %get3A_538 = arith.constant 0 : index
      %get3A_539 = vector.load %arg6[%get3A_537, %get3A_538] : memref<4x128xf32, #tpu.memory_space<vmem>>, vector<4x128xf32>
      %dot_general3A_540 = arith.constant dense<0.000000e+00> : vector<320x128xf32>
      %dot_general3A_541 = tpu.matmul %get3A_521, %get3A_539, %dot_general3A_540 {dimension_numbers = #tpu.dot_dimension_numbers<[1], [0], [0], [1], [0, 0, 1, 1], [], []>, transpose_lhs_hint = false} : vector<320x4xf32>, vector<4x128xf32>, vector<320x128xf32> -> vector<320x128xf32>
      %mul3A_542 = vector.broadcast %slice3A_536 : vector<320x1xf32> to vector<320x128xf32>
      %mul3A_543 = arith.mulf %mul3A_542, %dot_general3A_541 : vector<320x128xf32>
      %add3A_544 = arith.addf %add3A_535, %mul3A_543 : vector<320x128xf32>
      %max3A_545 = arith.constant 0.000000e+00 : f32
      %max3A_546 = vector.broadcast %max3A_545 : f32 to vector<320x128xf32>
      %max3A_547 = arith.maximumf %add3A_544, %max3A_546 : vector<320x128xf32>
      %convert_element_type3A_548 = arith.truncf %max3A_547 : vector<320x128xf32> to vector<320x128xbf16>
      %get3A_549 = arith.constant 0 : index
      %get3A_550 = arith.constant 0 : index
      %get3A_551 = vector.load %arg7[%get3A_549, %get3A_550] : memref<128x128xbf16, #tpu.memory_space<vmem>>, vector<128x128xbf16>
      %dot_general3A_552 = arith.constant dense<0.000000e+00> : vector<320x128xf32>
      %dot_general3A_553 = tpu.matmul %convert_element_type3A_548, %get3A_551, %dot_general3A_552 {dimension_numbers = #tpu.dot_dimension_numbers<[1], [0], [0], [1], [0, 0, 1, 1], [], []>, transpose_lhs_hint = false} : vector<320x128xbf16>, vector<128x128xbf16>, vector<320x128xf32> -> vector<320x128xf32>
      %get3A_554 = arith.constant 0 : index
      %get3A_555 = arith.constant 0 : index
      %get3A_556 = vector.load %arg8[%get3A_554, %get3A_555] : memref<1x128xf32, #tpu.memory_space<vmem>>, vector<1x128xf32>
      %add3A_557 = vector.broadcast %get3A_556 : vector<1x128xf32> to vector<320x128xf32>
      %add3A_558 = arith.addf %dot_general3A_553, %add3A_557 : vector<320x128xf32>
      %max3A_559 = arith.constant 0.000000e+00 : f32
      %max3A_560 = vector.broadcast %max3A_559 : f32 to vector<320x128xf32>
      %max3A_561 = arith.maximumf %add3A_558, %max3A_560 : vector<320x128xf32>
      %convert_element_type3A_562 = arith.truncf %max3A_561 : vector<320x128xf32> to vector<320x128xbf16>
      %get3A_563 = arith.constant 0 : index
      %get3A_564 = arith.constant 0 : index
      %get3A_565 = vector.load %arg9[%get3A_563, %get3A_564] : memref<128x128xbf16, #tpu.memory_space<vmem>>, vector<128x128xbf16>
      %dot_general3A_566 = arith.constant dense<0.000000e+00> : vector<320x128xf32>
      %dot_general3A_567 = tpu.matmul %convert_element_type3A_562, %get3A_565, %dot_general3A_566 {dimension_numbers = #tpu.dot_dimension_numbers<[1], [0], [0], [1], [0, 0, 1, 1], [], []>, transpose_lhs_hint = false} : vector<320x128xbf16>, vector<128x128xbf16>, vector<320x128xf32> -> vector<320x128xf32>
      %get3A_568 = arith.constant 0 : index
      %get3A_569 = arith.constant 0 : index
      %get3A_570 = vector.load %arg10[%get3A_568, %get3A_569] : memref<1x128xf32, #tpu.memory_space<vmem>>, vector<1x128xf32>
      %add3A_571 = vector.broadcast %get3A_570 : vector<1x128xf32> to vector<320x128xf32>
      %add3A_572 = arith.addf %dot_general3A_567, %add3A_571 : vector<320x128xf32>
      %jit3A_573 = arith.constant 0xFF800000 : f32
      %broadcast_in_dim3A_574 = vector.shape_cast %and3A_393 : vector<320x1xi1> to vector<320x1xi1>
      %broadcast_in_dim3A_575 = vector.broadcast %broadcast_in_dim3A_574 : vector<320x1xi1> to vector<320x128xi1>
      %broadcast_in_dim3A_576 = vector.broadcast %jit3A_573 : f32 to vector<320x128xf32>
      %select_n3A_577 = arith.select %broadcast_in_dim3A_575, %add3A_572, %broadcast_in_dim3A_576 : vector<320x128xi1>, vector<320x128xf32>
      %reduce_max3A_578 = arith.constant dense<0xFF800000> : vector<128xf32>
      %reduce_max3A_579 = vector.multi_reduction <maximumf>, %select_n3A_577, %reduce_max3A_578 [0] : vector<320x128xf32> to vector<128xf32>
      %broadcast_in_dim3A_580 = vector.shape_cast %reduce_max3A_579 : vector<128xf32> to vector<1x128xf32>
      %max3A_581 = arith.maximumf %while3A_360, %broadcast_in_dim3A_580 : vector<1x128xf32>
      %jit3A_582 = arith.constant 0xFF800000 : f32
      %broadcast_in_dim3A_583 = vector.shape_cast %and3A_408 : vector<320x1xi1> to vector<320x1xi1>
      %broadcast_in_dim3A_584 = vector.broadcast %broadcast_in_dim3A_583 : vector<320x1xi1> to vector<320x128xi1>
      %broadcast_in_dim3A_585 = vector.broadcast %jit3A_582 : f32 to vector<320x128xf32>
      %select_n3A_586 = arith.select %broadcast_in_dim3A_584, %add3A_572, %broadcast_in_dim3A_585 : vector<320x128xi1>, vector<320x128xf32>
      %reduce_max3A_587 = arith.constant dense<0xFF800000> : vector<128xf32>
      %reduce_max3A_588 = vector.multi_reduction <maximumf>, %select_n3A_586, %reduce_max3A_587 [0] : vector<320x128xf32> to vector<128xf32>
      %broadcast_in_dim3A_589 = vector.shape_cast %reduce_max3A_588 : vector<128xf32> to vector<1x128xf32>
      %max3A_590 = arith.maximumf %while3A_361, %broadcast_in_dim3A_589 : vector<1x128xf32>
      %jit3A_591 = arith.constant 0xFF800000 : f32
      %broadcast_in_dim3A_592 = vector.shape_cast %and3A_423 : vector<320x1xi1> to vector<320x1xi1>
      %broadcast_in_dim3A_593 = vector.broadcast %broadcast_in_dim3A_592 : vector<320x1xi1> to vector<320x128xi1>
      %broadcast_in_dim3A_594 = vector.broadcast %jit3A_591 : f32 to vector<320x128xf32>
      %select_n3A_595 = arith.select %broadcast_in_dim3A_593, %add3A_572, %broadcast_in_dim3A_594 : vector<320x128xi1>, vector<320x128xf32>
      %reduce_max3A_596 = arith.constant dense<0xFF800000> : vector<128xf32>
      %reduce_max3A_597 = vector.multi_reduction <maximumf>, %select_n3A_595, %reduce_max3A_596 [0] : vector<320x128xf32> to vector<128xf32>
      %broadcast_in_dim3A_598 = vector.shape_cast %reduce_max3A_597 : vector<128xf32> to vector<1x128xf32>
      %max3A_599 = arith.maximumf %while3A_362, %broadcast_in_dim3A_598 : vector<1x128xf32>
      %jit3A_600 = arith.constant 0xFF800000 : f32
      %broadcast_in_dim3A_601 = vector.shape_cast %and3A_438 : vector<320x1xi1> to vector<320x1xi1>
      %broadcast_in_dim3A_602 = vector.broadcast %broadcast_in_dim3A_601 : vector<320x1xi1> to vector<320x128xi1>
      %broadcast_in_dim3A_603 = vector.broadcast %jit3A_600 : f32 to vector<320x128xf32>
      %select_n3A_604 = arith.select %broadcast_in_dim3A_602, %add3A_572, %broadcast_in_dim3A_603 : vector<320x128xi1>, vector<320x128xf32>
      %reduce_max3A_605 = arith.constant dense<0xFF800000> : vector<128xf32>
      %reduce_max3A_606 = vector.multi_reduction <maximumf>, %select_n3A_604, %reduce_max3A_605 [0] : vector<320x128xf32> to vector<128xf32>
      %broadcast_in_dim3A_607 = vector.shape_cast %reduce_max3A_606 : vector<128xf32> to vector<1x128xf32>
      %max3A_608 = arith.maximumf %while3A_363, %broadcast_in_dim3A_607 : vector<1x128xf32>
      %jit3A_609 = arith.constant 0xFF800000 : f32
      %broadcast_in_dim3A_610 = vector.shape_cast %and3A_453 : vector<320x1xi1> to vector<320x1xi1>
      %broadcast_in_dim3A_611 = vector.broadcast %broadcast_in_dim3A_610 : vector<320x1xi1> to vector<320x128xi1>
      %broadcast_in_dim3A_612 = vector.broadcast %jit3A_609 : f32 to vector<320x128xf32>
      %select_n3A_613 = arith.select %broadcast_in_dim3A_611, %add3A_572, %broadcast_in_dim3A_612 : vector<320x128xi1>, vector<320x128xf32>
      %reduce_max3A_614 = arith.constant dense<0xFF800000> : vector<128xf32>
      %reduce_max3A_615 = vector.multi_reduction <maximumf>, %select_n3A_613, %reduce_max3A_614 [0] : vector<320x128xf32> to vector<128xf32>
      %broadcast_in_dim3A_616 = vector.shape_cast %reduce_max3A_615 : vector<128xf32> to vector<1x128xf32>
      %max3A_617 = arith.maximumf %while3A_364, %broadcast_in_dim3A_616 : vector<1x128xf32>
      %jit3A_618 = arith.constant 0xFF800000 : f32
      %broadcast_in_dim3A_619 = vector.shape_cast %and3A_468 : vector<320x1xi1> to vector<320x1xi1>
      %broadcast_in_dim3A_620 = vector.broadcast %broadcast_in_dim3A_619 : vector<320x1xi1> to vector<320x128xi1>
      %broadcast_in_dim3A_621 = vector.broadcast %jit3A_618 : f32 to vector<320x128xf32>
      %select_n3A_622 = arith.select %broadcast_in_dim3A_620, %add3A_572, %broadcast_in_dim3A_621 : vector<320x128xi1>, vector<320x128xf32>
      %reduce_max3A_623 = arith.constant dense<0xFF800000> : vector<128xf32>
      %reduce_max3A_624 = vector.multi_reduction <maximumf>, %select_n3A_622, %reduce_max3A_623 [0] : vector<320x128xf32> to vector<128xf32>
      %broadcast_in_dim3A_625 = vector.shape_cast %reduce_max3A_624 : vector<128xf32> to vector<1x128xf32>
      %max3A_626 = arith.maximumf %while3A_365, %broadcast_in_dim3A_625 : vector<1x128xf32>
      %jit3A_627 = arith.constant 0xFF800000 : f32
      %broadcast_in_dim3A_628 = vector.shape_cast %and3A_483 : vector<320x1xi1> to vector<320x1xi1>
      %broadcast_in_dim3A_629 = vector.broadcast %broadcast_in_dim3A_628 : vector<320x1xi1> to vector<320x128xi1>
      %broadcast_in_dim3A_630 = vector.broadcast %jit3A_627 : f32 to vector<320x128xf32>
      %select_n3A_631 = arith.select %broadcast_in_dim3A_629, %add3A_572, %broadcast_in_dim3A_630 : vector<320x128xi1>, vector<320x128xf32>
      %reduce_max3A_632 = arith.constant dense<0xFF800000> : vector<128xf32>
      %reduce_max3A_633 = vector.multi_reduction <maximumf>, %select_n3A_631, %reduce_max3A_632 [0] : vector<320x128xf32> to vector<128xf32>
      %broadcast_in_dim3A_634 = vector.shape_cast %reduce_max3A_633 : vector<128xf32> to vector<1x128xf32>
      %max3A_635 = arith.maximumf %while3A_366, %broadcast_in_dim3A_634 : vector<1x128xf32>
      %jit3A_636 = arith.constant 0xFF800000 : f32
      %broadcast_in_dim3A_637 = vector.shape_cast %and3A_498 : vector<320x1xi1> to vector<320x1xi1>
      %broadcast_in_dim3A_638 = vector.broadcast %broadcast_in_dim3A_637 : vector<320x1xi1> to vector<320x128xi1>
      %broadcast_in_dim3A_639 = vector.broadcast %jit3A_636 : f32 to vector<320x128xf32>
      %select_n3A_640 = arith.select %broadcast_in_dim3A_638, %add3A_572, %broadcast_in_dim3A_639 : vector<320x128xi1>, vector<320x128xf32>
      %reduce_max3A_641 = arith.constant dense<0xFF800000> : vector<128xf32>
      %reduce_max3A_642 = vector.multi_reduction <maximumf>, %select_n3A_640, %reduce_max3A_641 [0] : vector<320x128xf32> to vector<128xf32>
      %broadcast_in_dim3A_643 = vector.shape_cast %reduce_max3A_642 : vector<128xf32> to vector<1x128xf32>
      %max3A_644 = arith.maximumf %while3A_367, %broadcast_in_dim3A_643 : vector<1x128xf32>
      scf.yield %max3A_581, %max3A_590, %max3A_599, %max3A_608, %max3A_617, %max3A_626, %max3A_635, %max3A_644 : vector<1x128xf32>, vector<1x128xf32>, vector<1x128xf32>, vector<1x128xf32>, vector<1x128xf32>, vector<1x128xf32>, vector<1x128xf32>, vector<1x128xf32>
    }
    %while3A_348 = arith.constant 1 : i32
    %while3A_349:8 = scf.for %while3A_359 = %while3A_345 to %while3A_341 step %while3A_348 iter_args(%while3A_360 = %while3A_347#0, %while3A_361 = %while3A_347#1, %while3A_362 = %while3A_347#2, %while3A_363 = %while3A_347#3, %while3A_364 = %while3A_347#4, %while3A_365 = %while3A_347#5, %while3A_366 = %while3A_347#6, %while3A_367 = %while3A_347#7) -> (vector<1x128xf32>, vector<1x128xf32>, vector<1x128xf32>, vector<1x128xf32>, vector<1x128xf32>, vector<1x128xf32>, vector<1x128xf32>, vector<1x128xf32>)  : i32 {
      %add3A_368 = arith.constant 1 : i32
      %add3A_369 = arith.addi %while3A_359, %add3A_368 : i32
      %mul3A_370 = arith.constant 320 : i32
      %mul3A_371 = arith.muli %add3A_369, %mul3A_370 : i32
      %add3A_372 = arith.addi %mul3A_26, %mul3A_371 : i32
      %dma_start3A = arith.constant 0 : i32
      %dma_start3A_373 = tpu.memref_slice %arg2[%add3A_372, %dma_start3A] : memref<323584x256xf32, #tpu.memory_space<any>> -> memref<320x256xf32, #tpu.memory_space<any>>
      tpu.enqueue_dma source(%dma_start3A_373 : memref<320x256xf32, #tpu.memory_space<any>>) target(%arg14 : memref<320x256xf32, #tpu.memory_space<vmem>>) target_semaphore(%arg15 : memref<!tpu.dma_semaphore, #tpu.memory_space<semaphore_mem>>)
      %dma_wait3A_374 = arith.constant 0 : i32
      %dma_wait3A_375 = tpu.memref_slice %arg2[%add3A_372, %dma_wait3A_374] : memref<323584x256xf32, #tpu.memory_space<any>> -> memref<320x256xf32, #tpu.memory_space<any>>
      tpu.wait_dma2 semaphore(%arg15 : memref<!tpu.dma_semaphore, #tpu.memory_space<semaphore_mem>>) src(%dma_wait3A_375 : memref<320x256xf32, #tpu.memory_space<any>>) dst(%arg14 : memref<320x256xf32, #tpu.memory_space<vmem>>)
      %iota3A_376 = tpu.iota {dimensions = array<i32: 0>} : vector<320x1xi32>
      %add3A_377 = vector.broadcast %add3A_372 : i32 to vector<320x1xi32>
      %add3A_378 = arith.addi %iota3A_376, %add3A_377 : vector<320x1xi32>
      %add3A_379 = arith.constant 0 : i32
      %add3A_380 = arith.addi %mul3A_0, %add3A_379 : i32
      %get3A_381 = arith.index_cast %add3A_380 : i32 to index
      %get3A_382 = memref.load %arg1[%get3A_381] : memref<10001xi32, #tpu.memory_space<smem>>
      %ge3A_383 = vector.broadcast %get3A_382 : i32 to vector<320x1xi32>
      %ge3A_384 = arith.cmpi sge, %add3A_378, %ge3A_383 : vector<320x1xi32>
      %add3A_385 = arith.constant 0 : i32
      %add3A_386 = arith.addi %mul3A_0, %add3A_385 : i32
      %add3A_387 = arith.constant 1 : i32
      %add3A_388 = arith.addi %add3A_386, %add3A_387 : i32
      %get3A_389 = arith.index_cast %add3A_388 : i32 to index
      %get3A_390 = memref.load %arg1[%get3A_389] : memref<10001xi32, #tpu.memory_space<smem>>
      %lt3A_391 = vector.broadcast %get3A_390 : i32 to vector<320x1xi32>
      %lt3A_392 = arith.cmpi slt, %add3A_378, %lt3A_391 : vector<320x1xi32>
      %and3A_393 = arith.andi %ge3A_384, %lt3A_392 : vector<320x1xi1>
      %add3A_394 = arith.constant 1 : i32
      %add3A_395 = arith.addi %mul3A_0, %add3A_394 : i32
      %get3A_396 = arith.index_cast %add3A_395 : i32 to index
      %get3A_397 = memref.load %arg1[%get3A_396] : memref<10001xi32, #tpu.memory_space<smem>>
      %ge3A_398 = vector.broadcast %get3A_397 : i32 to vector<320x1xi32>
      %ge3A_399 = arith.cmpi sge, %add3A_378, %ge3A_398 : vector<320x1xi32>
      %add3A_400 = arith.constant 1 : i32
      %add3A_401 = arith.addi %mul3A_0, %add3A_400 : i32
      %add3A_402 = arith.constant 1 : i32
      %add3A_403 = arith.addi %add3A_401, %add3A_402 : i32
      %get3A_404 = arith.index_cast %add3A_403 : i32 to index
      %get3A_405 = memref.load %arg1[%get3A_404] : memref<10001xi32, #tpu.memory_space<smem>>
      %lt3A_406 = vector.broadcast %get3A_405 : i32 to vector<320x1xi32>
      %lt3A_407 = arith.cmpi slt, %add3A_378, %lt3A_406 : vector<320x1xi32>
      %and3A_408 = arith.andi %ge3A_399, %lt3A_407 : vector<320x1xi1>
      %add3A_409 = arith.constant 2 : i32
      %add3A_410 = arith.addi %mul3A_0, %add3A_409 : i32
      %get3A_411 = arith.index_cast %add3A_410 : i32 to index
      %get3A_412 = memref.load %arg1[%get3A_411] : memref<10001xi32, #tpu.memory_space<smem>>
      %ge3A_413 = vector.broadcast %get3A_412 : i32 to vector<320x1xi32>
      %ge3A_414 = arith.cmpi sge, %add3A_378, %ge3A_413 : vector<320x1xi32>
      %add3A_415 = arith.constant 2 : i32
      %add3A_416 = arith.addi %mul3A_0, %add3A_415 : i32
      %add3A_417 = arith.constant 1 : i32
      %add3A_418 = arith.addi %add3A_416, %add3A_417 : i32
      %get3A_419 = arith.index_cast %add3A_418 : i32 to index
      %get3A_420 = memref.load %arg1[%get3A_419] : memref<10001xi32, #tpu.memory_space<smem>>
      %lt3A_421 = vector.broadcast %get3A_420 : i32 to vector<320x1xi32>
      %lt3A_422 = arith.cmpi slt, %add3A_378, %lt3A_421 : vector<320x1xi32>
      %and3A_423 = arith.andi %ge3A_414, %lt3A_422 : vector<320x1xi1>
      %add3A_424 = arith.constant 3 : i32
      %add3A_425 = arith.addi %mul3A_0, %add3A_424 : i32
      %get3A_426 = arith.index_cast %add3A_425 : i32 to index
      %get3A_427 = memref.load %arg1[%get3A_426] : memref<10001xi32, #tpu.memory_space<smem>>
      %ge3A_428 = vector.broadcast %get3A_427 : i32 to vector<320x1xi32>
      %ge3A_429 = arith.cmpi sge, %add3A_378, %ge3A_428 : vector<320x1xi32>
      %add3A_430 = arith.constant 3 : i32
      %add3A_431 = arith.addi %mul3A_0, %add3A_430 : i32
      %add3A_432 = arith.constant 1 : i32
      %add3A_433 = arith.addi %add3A_431, %add3A_432 : i32
      %get3A_434 = arith.index_cast %add3A_433 : i32 to index
      %get3A_435 = memref.load %arg1[%get3A_434] : memref<10001xi32, #tpu.memory_space<smem>>
      %lt3A_436 = vector.broadcast %get3A_435 : i32 to vector<320x1xi32>
      %lt3A_437 = arith.cmpi slt, %add3A_378, %lt3A_436 : vector<320x1xi32>
      %and3A_438 = arith.andi %ge3A_429, %lt3A_437 : vector<320x1xi1>
      %add3A_439 = arith.constant 4 : i32
      %add3A_440 = arith.addi %mul3A_0, %add3A_439 : i32
      %get3A_441 = arith.index_cast %add3A_440 : i32 to index
      %get3A_442 = memref.load %arg1[%get3A_441] : memref<10001xi32, #tpu.memory_space<smem>>
      %ge3A_443 = vector.broadcast %get3A_442 : i32 to vector<320x1xi32>
      %ge3A_444 = arith.cmpi sge, %add3A_378, %ge3A_443 : vector<320x1xi32>
      %add3A_445 = arith.constant 4 : i32
      %add3A_446 = arith.addi %mul3A_0, %add3A_445 : i32
      %add3A_447 = arith.constant 1 : i32
      %add3A_448 = arith.addi %add3A_446, %add3A_447 : i32
      %get3A_449 = arith.index_cast %add3A_448 : i32 to index
      %get3A_450 = memref.load %arg1[%get3A_449] : memref<10001xi32, #tpu.memory_space<smem>>
      %lt3A_451 = vector.broadcast %get3A_450 : i32 to vector<320x1xi32>
      %lt3A_452 = arith.cmpi slt, %add3A_378, %lt3A_451 : vector<320x1xi32>
      %and3A_453 = arith.andi %ge3A_444, %lt3A_452 : vector<320x1xi1>
      %add3A_454 = arith.constant 5 : i32
      %add3A_455 = arith.addi %mul3A_0, %add3A_454 : i32
      %get3A_456 = arith.index_cast %add3A_455 : i32 to index
      %get3A_457 = memref.load %arg1[%get3A_456] : memref<10001xi32, #tpu.memory_space<smem>>
      %ge3A_458 = vector.broadcast %get3A_457 : i32 to vector<320x1xi32>
      %ge3A_459 = arith.cmpi sge, %add3A_378, %ge3A_458 : vector<320x1xi32>
      %add3A_460 = arith.constant 5 : i32
      %add3A_461 = arith.addi %mul3A_0, %add3A_460 : i32
      %add3A_462 = arith.constant 1 : i32
      %add3A_463 = arith.addi %add3A_461, %add3A_462 : i32
      %get3A_464 = arith.index_cast %add3A_463 : i32 to index
      %get3A_465 = memref.load %arg1[%get3A_464] : memref<10001xi32, #tpu.memory_space<smem>>
      %lt3A_466 = vector.broadcast %get3A_465 : i32 to vector<320x1xi32>
      %lt3A_467 = arith.cmpi slt, %add3A_378, %lt3A_466 : vector<320x1xi32>
      %and3A_468 = arith.andi %ge3A_459, %lt3A_467 : vector<320x1xi1>
      %add3A_469 = arith.constant 6 : i32
      %add3A_470 = arith.addi %mul3A_0, %add3A_469 : i32
      %get3A_471 = arith.index_cast %add3A_470 : i32 to index
      %get3A_472 = memref.load %arg1[%get3A_471] : memref<10001xi32, #tpu.memory_space<smem>>
      %ge3A_473 = vector.broadcast %get3A_472 : i32 to vector<320x1xi32>
      %ge3A_474 = arith.cmpi sge, %add3A_378, %ge3A_473 : vector<320x1xi32>
      %add3A_475 = arith.constant 6 : i32
      %add3A_476 = arith.addi %mul3A_0, %add3A_475 : i32
      %add3A_477 = arith.constant 1 : i32
      %add3A_478 = arith.addi %add3A_476, %add3A_477 : i32
      %get3A_479 = arith.index_cast %add3A_478 : i32 to index
      %get3A_480 = memref.load %arg1[%get3A_479] : memref<10001xi32, #tpu.memory_space<smem>>
      %lt3A_481 = vector.broadcast %get3A_480 : i32 to vector<320x1xi32>
      %lt3A_482 = arith.cmpi slt, %add3A_378, %lt3A_481 : vector<320x1xi32>
      %and3A_483 = arith.andi %ge3A_474, %lt3A_482 : vector<320x1xi1>
      %add3A_484 = arith.constant 7 : i32
      %add3A_485 = arith.addi %mul3A_0, %add3A_484 : i32
      %get3A_486 = arith.index_cast %add3A_485 : i32 to index
      %get3A_487 = memref.load %arg1[%get3A_486] : memref<10001xi32, #tpu.memory_space<smem>>
      %ge3A_488 = vector.broadcast %get3A_487 : i32 to vector<320x1xi32>
      %ge3A_489 = arith.cmpi sge, %add3A_378, %ge3A_488 : vector<320x1xi32>
      %add3A_490 = arith.constant 7 : i32
      %add3A_491 = arith.addi %mul3A_0, %add3A_490 : i32
      %add3A_492 = arith.constant 1 : i32
      %add3A_493 = arith.addi %add3A_491, %add3A_492 : i32
      %get3A_494 = arith.index_cast %add3A_493 : i32 to index
      %get3A_495 = memref.load %arg1[%get3A_494] : memref<10001xi32, #tpu.memory_space<smem>>
      %lt3A_496 = vector.broadcast %get3A_495 : i32 to vector<320x1xi32>
      %lt3A_497 = arith.cmpi slt, %add3A_378, %lt3A_496 : vector<320x1xi32>
      %and3A_498 = arith.andi %ge3A_489, %lt3A_497 : vector<320x1xi1>
      %convert_element_type3A_499 = arith.extui %and3A_393 : vector<320x1xi1> to vector<320x1xi32>
      %convert_element_type3A_500 = arith.sitofp %convert_element_type3A_499 : vector<320x1xi32> to vector<320x1xf32>
      %convert_element_type3A_501 = arith.extui %and3A_408 : vector<320x1xi1> to vector<320x1xi32>
      %convert_element_type3A_502 = arith.sitofp %convert_element_type3A_501 : vector<320x1xi32> to vector<320x1xf32>
      %convert_element_type3A_503 = arith.extui %and3A_423 : vector<320x1xi1> to vector<320x1xi32>
      %convert_element_type3A_504 = arith.sitofp %convert_element_type3A_503 : vector<320x1xi32> to vector<320x1xf32>
      %convert_element_type3A_505 = arith.extui %and3A_438 : vector<320x1xi1> to vector<320x1xi32>
      %convert_element_type3A_506 = arith.sitofp %convert_element_type3A_505 : vector<320x1xi32> to vector<320x1xf32>
      %convert_element_type3A_507 = arith.extui %and3A_453 : vector<320x1xi1> to vector<320x1xi32>
      %convert_element_type3A_508 = arith.sitofp %convert_element_type3A_507 : vector<320x1xi32> to vector<320x1xf32>
      %convert_element_type3A_509 = arith.extui %and3A_468 : vector<320x1xi1> to vector<320x1xi32>
      %convert_element_type3A_510 = arith.sitofp %convert_element_type3A_509 : vector<320x1xi32> to vector<320x1xf32>
      %convert_element_type3A_511 = arith.extui %and3A_483 : vector<320x1xi1> to vector<320x1xi32>
      %convert_element_type3A_512 = arith.sitofp %convert_element_type3A_511 : vector<320x1xi32> to vector<320x1xf32>
      %convert_element_type3A_513 = arith.extui %and3A_498 : vector<320x1xi1> to vector<320x1xi32>
      %convert_element_type3A_514 = arith.sitofp %convert_element_type3A_513 : vector<320x1xi32> to vector<320x1xf32>
      %concatenate3A_515 = tpu.concatenate %convert_element_type3A_500, %convert_element_type3A_502, %convert_element_type3A_504, %convert_element_type3A_506, %convert_element_type3A_508, %convert_element_type3A_510, %convert_element_type3A_512, %convert_element_type3A_514 in 1 : vector<320x1xf32>, vector<320x1xf32>, vector<320x1xf32>, vector<320x1xf32>, vector<320x1xf32>, vector<320x1xf32>, vector<320x1xf32>, vector<320x1xf32> -> vector<320x8xf32>
      %get3A_516 = arith.constant 0 : index
      %get3A_517 = arith.constant 0 : index
      %get3A_518 = vector.load %arg14[%get3A_516, %get3A_517] : memref<320x256xf32, #tpu.memory_space<vmem>>, vector<320x128xf32>
      %get3A_519 = arith.constant 0 : index
      %get3A_520 = arith.constant 128 : index
      %get3A_521 = vector.load %arg14[%get3A_519, %get3A_520] : memref<320x256xf32, #tpu.memory_space<vmem>>, vector<320x4xf32>
      %dot_general3A_522 = arith.constant dense<0.000000e+00> : vector<320x128xf32>
      %dot_general3A_523 = tpu.matmul %concatenate3A_515, %get3A_44, %dot_general3A_522 {dimension_numbers = #tpu.dot_dimension_numbers<[1], [0], [0], [1], [0, 0, 1, 1], [], []>, transpose_lhs_hint = false} : vector<320x8xf32>, vector<8x128xf32>, vector<320x128xf32> -> vector<320x128xf32>
      %dot_general3A_524 = arith.constant dense<0.000000e+00> : vector<320x2xf32>
      %dot_general3A_525 = tpu.matmul %concatenate3A_515, %get3A_47, %dot_general3A_524 {dimension_numbers = #tpu.dot_dimension_numbers<[1], [0], [0], [1], [0, 0, 1, 1], [], []>, transpose_lhs_hint = false} : vector<320x8xf32>, vector<8x2xf32>, vector<320x2xf32> -> vector<320x2xf32>
      %add3A_526 = arith.addf %dot_general3A_523, %get3A_518 : vector<320x128xf32>
      %slice3A_527 = vector.extract_strided_slice %dot_general3A_525 {offsets = [0, 0], sizes = [320, 1], strides = [1, 1]} : vector<320x2xf32> to vector<320x1xf32>
      %get3A_528 = arith.constant 0 : index
      %get3A_529 = arith.constant 0 : index
      %get3A_530 = vector.load %arg5[%get3A_528, %get3A_529] : memref<4x128xf32, #tpu.memory_space<vmem>>, vector<4x128xf32>
      %dot_general3A_531 = arith.constant dense<0.000000e+00> : vector<320x128xf32>
      %dot_general3A_532 = tpu.matmul %get3A_521, %get3A_530, %dot_general3A_531 {dimension_numbers = #tpu.dot_dimension_numbers<[1], [0], [0], [1], [0, 0, 1, 1], [], []>, transpose_lhs_hint = false} : vector<320x4xf32>, vector<4x128xf32>, vector<320x128xf32> -> vector<320x128xf32>
      %mul3A_533 = vector.broadcast %slice3A_527 : vector<320x1xf32> to vector<320x128xf32>
      %mul3A_534 = arith.mulf %mul3A_533, %dot_general3A_532 : vector<320x128xf32>
      %add3A_535 = arith.addf %add3A_526, %mul3A_534 : vector<320x128xf32>
      %slice3A_536 = vector.extract_strided_slice %dot_general3A_525 {offsets = [0, 1], sizes = [320, 1], strides = [1, 1]} : vector<320x2xf32> to vector<320x1xf32>
      %get3A_537 = arith.constant 0 : index
      %get3A_538 = arith.constant 0 : index
      %get3A_539 = vector.load %arg6[%get3A_537, %get3A_538] : memref<4x128xf32, #tpu.memory_space<vmem>>, vector<4x128xf32>
      %dot_general3A_540 = arith.constant dense<0.000000e+00> : vector<320x128xf32>
      %dot_general3A_541 = tpu.matmul %get3A_521, %get3A_539, %dot_general3A_540 {dimension_numbers = #tpu.dot_dimension_numbers<[1], [0], [0], [1], [0, 0, 1, 1], [], []>, transpose_lhs_hint = false} : vector<320x4xf32>, vector<4x128xf32>, vector<320x128xf32> -> vector<320x128xf32>
      %mul3A_542 = vector.broadcast %slice3A_536 : vector<320x1xf32> to vector<320x128xf32>
      %mul3A_543 = arith.mulf %mul3A_542, %dot_general3A_541 : vector<320x128xf32>
      %add3A_544 = arith.addf %add3A_535, %mul3A_543 : vector<320x128xf32>
      %max3A_545 = arith.constant 0.000000e+00 : f32
      %max3A_546 = vector.broadcast %max3A_545 : f32 to vector<320x128xf32>
      %max3A_547 = arith.maximumf %add3A_544, %max3A_546 : vector<320x128xf32>
      %convert_element_type3A_548 = arith.truncf %max3A_547 : vector<320x128xf32> to vector<320x128xbf16>
      %get3A_549 = arith.constant 0 : index
      %get3A_550 = arith.constant 0 : index
      %get3A_551 = vector.load %arg7[%get3A_549, %get3A_550] : memref<128x128xbf16, #tpu.memory_space<vmem>>, vector<128x128xbf16>
      %dot_general3A_552 = arith.constant dense<0.000000e+00> : vector<320x128xf32>
      %dot_general3A_553 = tpu.matmul %convert_element_type3A_548, %get3A_551, %dot_general3A_552 {dimension_numbers = #tpu.dot_dimension_numbers<[1], [0], [0], [1], [0, 0, 1, 1], [], []>, transpose_lhs_hint = false} : vector<320x128xbf16>, vector<128x128xbf16>, vector<320x128xf32> -> vector<320x128xf32>
      %get3A_554 = arith.constant 0 : index
      %get3A_555 = arith.constant 0 : index
      %get3A_556 = vector.load %arg8[%get3A_554, %get3A_555] : memref<1x128xf32, #tpu.memory_space<vmem>>, vector<1x128xf32>
      %add3A_557 = vector.broadcast %get3A_556 : vector<1x128xf32> to vector<320x128xf32>
      %add3A_558 = arith.addf %dot_general3A_553, %add3A_557 : vector<320x128xf32>
      %max3A_559 = arith.constant 0.000000e+00 : f32
      %max3A_560 = vector.broadcast %max3A_559 : f32 to vector<320x128xf32>
      %max3A_561 = arith.maximumf %add3A_558, %max3A_560 : vector<320x128xf32>
      %convert_element_type3A_562 = arith.truncf %max3A_561 : vector<320x128xf32> to vector<320x128xbf16>
      %get3A_563 = arith.constant 0 : index
      %get3A_564 = arith.constant 0 : index
      %get3A_565 = vector.load %arg9[%get3A_563, %get3A_564] : memref<128x128xbf16, #tpu.memory_space<vmem>>, vector<128x128xbf16>
      %dot_general3A_566 = arith.constant dense<0.000000e+00> : vector<320x128xf32>
      %dot_general3A_567 = tpu.matmul %convert_element_type3A_562, %get3A_565, %dot_general3A_566 {dimension_numbers = #tpu.dot_dimension_numbers<[1], [0], [0], [1], [0, 0, 1, 1], [], []>, transpose_lhs_hint = false} : vector<320x128xbf16>, vector<128x128xbf16>, vector<320x128xf32> -> vector<320x128xf32>
      %get3A_568 = arith.constant 0 : index
      %get3A_569 = arith.constant 0 : index
      %get3A_570 = vector.load %arg10[%get3A_568, %get3A_569] : memref<1x128xf32, #tpu.memory_space<vmem>>, vector<1x128xf32>
      %add3A_571 = vector.broadcast %get3A_570 : vector<1x128xf32> to vector<320x128xf32>
      %add3A_572 = arith.addf %dot_general3A_567, %add3A_571 : vector<320x128xf32>
      %jit3A_573 = arith.constant 0xFF800000 : f32
      %broadcast_in_dim3A_574 = vector.shape_cast %and3A_393 : vector<320x1xi1> to vector<320x1xi1>
      %broadcast_in_dim3A_575 = vector.broadcast %broadcast_in_dim3A_574 : vector<320x1xi1> to vector<320x128xi1>
      %broadcast_in_dim3A_576 = vector.broadcast %jit3A_573 : f32 to vector<320x128xf32>
      %select_n3A_577 = arith.select %broadcast_in_dim3A_575, %add3A_572, %broadcast_in_dim3A_576 : vector<320x128xi1>, vector<320x128xf32>
      %reduce_max3A_578 = arith.constant dense<0xFF800000> : vector<128xf32>
      %reduce_max3A_579 = vector.multi_reduction <maximumf>, %select_n3A_577, %reduce_max3A_578 [0] : vector<320x128xf32> to vector<128xf32>
      %broadcast_in_dim3A_580 = vector.shape_cast %reduce_max3A_579 : vector<128xf32> to vector<1x128xf32>
      %max3A_581 = arith.maximumf %while3A_360, %broadcast_in_dim3A_580 : vector<1x128xf32>
      %jit3A_582 = arith.constant 0xFF800000 : f32
      %broadcast_in_dim3A_583 = vector.shape_cast %and3A_408 : vector<320x1xi1> to vector<320x1xi1>
      %broadcast_in_dim3A_584 = vector.broadcast %broadcast_in_dim3A_583 : vector<320x1xi1> to vector<320x128xi1>
      %broadcast_in_dim3A_585 = vector.broadcast %jit3A_582 : f32 to vector<320x128xf32>
      %select_n3A_586 = arith.select %broadcast_in_dim3A_584, %add3A_572, %broadcast_in_dim3A_585 : vector<320x128xi1>, vector<320x128xf32>
      %reduce_max3A_587 = arith.constant dense<0xFF800000> : vector<128xf32>
      %reduce_max3A_588 = vector.multi_reduction <maximumf>, %select_n3A_586, %reduce_max3A_587 [0] : vector<320x128xf32> to vector<128xf32>
      %broadcast_in_dim3A_589 = vector.shape_cast %reduce_max3A_588 : vector<128xf32> to vector<1x128xf32>
      %max3A_590 = arith.maximumf %while3A_361, %broadcast_in_dim3A_589 : vector<1x128xf32>
      %jit3A_591 = arith.constant 0xFF800000 : f32
      %broadcast_in_dim3A_592 = vector.shape_cast %and3A_423 : vector<320x1xi1> to vector<320x1xi1>
      %broadcast_in_dim3A_593 = vector.broadcast %broadcast_in_dim3A_592 : vector<320x1xi1> to vector<320x128xi1>
      %broadcast_in_dim3A_594 = vector.broadcast %jit3A_591 : f32 to vector<320x128xf32>
      %select_n3A_595 = arith.select %broadcast_in_dim3A_593, %add3A_572, %broadcast_in_dim3A_594 : vector<320x128xi1>, vector<320x128xf32>
      %reduce_max3A_596 = arith.constant dense<0xFF800000> : vector<128xf32>
      %reduce_max3A_597 = vector.multi_reduction <maximumf>, %select_n3A_595, %reduce_max3A_596 [0] : vector<320x128xf32> to vector<128xf32>
      %broadcast_in_dim3A_598 = vector.shape_cast %reduce_max3A_597 : vector<128xf32> to vector<1x128xf32>
      %max3A_599 = arith.maximumf %while3A_362, %broadcast_in_dim3A_598 : vector<1x128xf32>
      %jit3A_600 = arith.constant 0xFF800000 : f32
      %broadcast_in_dim3A_601 = vector.shape_cast %and3A_438 : vector<320x1xi1> to vector<320x1xi1>
      %broadcast_in_dim3A_602 = vector.broadcast %broadcast_in_dim3A_601 : vector<320x1xi1> to vector<320x128xi1>
      %broadcast_in_dim3A_603 = vector.broadcast %jit3A_600 : f32 to vector<320x128xf32>
      %select_n3A_604 = arith.select %broadcast_in_dim3A_602, %add3A_572, %broadcast_in_dim3A_603 : vector<320x128xi1>, vector<320x128xf32>
      %reduce_max3A_605 = arith.constant dense<0xFF800000> : vector<128xf32>
      %reduce_max3A_606 = vector.multi_reduction <maximumf>, %select_n3A_604, %reduce_max3A_605 [0] : vector<320x128xf32> to vector<128xf32>
      %broadcast_in_dim3A_607 = vector.shape_cast %reduce_max3A_606 : vector<128xf32> to vector<1x128xf32>
      %max3A_608 = arith.maximumf %while3A_363, %broadcast_in_dim3A_607 : vector<1x128xf32>
      %jit3A_609 = arith.constant 0xFF800000 : f32
      %broadcast_in_dim3A_610 = vector.shape_cast %and3A_453 : vector<320x1xi1> to vector<320x1xi1>
      %broadcast_in_dim3A_611 = vector.broadcast %broadcast_in_dim3A_610 : vector<320x1xi1> to vector<320x128xi1>
      %broadcast_in_dim3A_612 = vector.broadcast %jit3A_609 : f32 to vector<320x128xf32>
      %select_n3A_613 = arith.select %broadcast_in_dim3A_611, %add3A_572, %broadcast_in_dim3A_612 : vector<320x128xi1>, vector<320x128xf32>
      %reduce_max3A_614 = arith.constant dense<0xFF800000> : vector<128xf32>
      %reduce_max3A_615 = vector.multi_reduction <maximumf>, %select_n3A_613, %reduce_max3A_614 [0] : vector<320x128xf32> to vector<128xf32>
      %broadcast_in_dim3A_616 = vector.shape_cast %reduce_max3A_615 : vector<128xf32> to vector<1x128xf32>
      %max3A_617 = arith.maximumf %while3A_364, %broadcast_in_dim3A_616 : vector<1x128xf32>
      %jit3A_618 = arith.constant 0xFF800000 : f32
      %broadcast_in_dim3A_619 = vector.shape_cast %and3A_468 : vector<320x1xi1> to vector<320x1xi1>
      %broadcast_in_dim3A_620 = vector.broadcast %broadcast_in_dim3A_619 : vector<320x1xi1> to vector<320x128xi1>
      %broadcast_in_dim3A_621 = vector.broadcast %jit3A_618 : f32 to vector<320x128xf32>
      %select_n3A_622 = arith.select %broadcast_in_dim3A_620, %add3A_572, %broadcast_in_dim3A_621 : vector<320x128xi1>, vector<320x128xf32>
      %reduce_max3A_623 = arith.constant dense<0xFF800000> : vector<128xf32>
      %reduce_max3A_624 = vector.multi_reduction <maximumf>, %select_n3A_622, %reduce_max3A_623 [0] : vector<320x128xf32> to vector<128xf32>
      %broadcast_in_dim3A_625 = vector.shape_cast %reduce_max3A_624 : vector<128xf32> to vector<1x128xf32>
      %max3A_626 = arith.maximumf %while3A_365, %broadcast_in_dim3A_625 : vector<1x128xf32>
      %jit3A_627 = arith.constant 0xFF800000 : f32
      %broadcast_in_dim3A_628 = vector.shape_cast %and3A_483 : vector<320x1xi1> to vector<320x1xi1>
      %broadcast_in_dim3A_629 = vector.broadcast %broadcast_in_dim3A_628 : vector<320x1xi1> to vector<320x128xi1>
      %broadcast_in_dim3A_630 = vector.broadcast %jit3A_627 : f32 to vector<320x128xf32>
      %select_n3A_631 = arith.select %broadcast_in_dim3A_629, %add3A_572, %broadcast_in_dim3A_630 : vector<320x128xi1>, vector<320x128xf32>
      %reduce_max3A_632 = arith.constant dense<0xFF800000> : vector<128xf32>
      %reduce_max3A_633 = vector.multi_reduction <maximumf>, %select_n3A_631, %reduce_max3A_632 [0] : vector<320x128xf32> to vector<128xf32>
      %broadcast_in_dim3A_634 = vector.shape_cast %reduce_max3A_633 : vector<128xf32> to vector<1x128xf32>
      %max3A_635 = arith.maximumf %while3A_366, %broadcast_in_dim3A_634 : vector<1x128xf32>
      %jit3A_636 = arith.constant 0xFF800000 : f32
      %broadcast_in_dim3A_637 = vector.shape_cast %and3A_498 : vector<320x1xi1> to vector<320x1xi1>
      %broadcast_in_dim3A_638 = vector.broadcast %broadcast_in_dim3A_637 : vector<320x1xi1> to vector<320x128xi1>
      %broadcast_in_dim3A_639 = vector.broadcast %jit3A_636 : f32 to vector<320x128xf32>
      %select_n3A_640 = arith.select %broadcast_in_dim3A_638, %add3A_572, %broadcast_in_dim3A_639 : vector<320x128xi1>, vector<320x128xf32>
      %reduce_max3A_641 = arith.constant dense<0xFF800000> : vector<128xf32>
      %reduce_max3A_642 = vector.multi_reduction <maximumf>, %select_n3A_640, %reduce_max3A_641 [0] : vector<320x128xf32> to vector<128xf32>
      %broadcast_in_dim3A_643 = vector.shape_cast %reduce_max3A_642 : vector<128xf32> to vector<1x128xf32>
      %max3A_644 = arith.maximumf %while3A_367, %broadcast_in_dim3A_643 : vector<1x128xf32>
      scf.yield %max3A_581, %max3A_590, %max3A_599, %max3A_608, %max3A_617, %max3A_626, %max3A_635, %max3A_644 : vector<1x128xf32>, vector<1x128xf32>, vector<1x128xf32>, vector<1x128xf32>, vector<1x128xf32>, vector<1x128xf32>, vector<1x128xf32>, vector<1x128xf32>
    }
    %concatenate3A_350 = tpu.concatenate %while3A_349#0, %while3A_349#1, %while3A_349#2, %while3A_349#3, %while3A_349#4, %while3A_349#5, %while3A_349#6, %while3A_349#7 in 0 : vector<1x128xf32>, vector<1x128xf32>, vector<1x128xf32>, vector<1x128xf32>, vector<1x128xf32>, vector<1x128xf32>, vector<1x128xf32>, vector<1x128xf32> -> vector<8x128xf32>
    %eq3A_351 = arith.constant 0xFF800000 : f32
    %eq3A_352 = vector.broadcast %eq3A_351 : f32 to vector<8x128xf32>
    %eq3A_353 = arith.cmpf oeq, %concatenate3A_350, %eq3A_352 : vector<8x128xf32>
    %jit3A_354 = arith.constant 0.000000e+00 : f32
    %broadcast_in_dim3A_355 = vector.broadcast %jit3A_354 : f32 to vector<8x128xf32>
    %select_n3A_356 = arith.select %eq3A_353, %broadcast_in_dim3A_355, %concatenate3A_350 : vector<8x128xi1>, vector<8x128xf32>
    %swap3A = arith.constant 0 : index
    %swap3A_357 = arith.constant 0 : index
    %swap3A_358 = vector.load %arg11[%swap3A, %swap3A_357] : memref<8x128xf32, #tpu.memory_space<vmem>>, vector<8x128xf32>
    tpu.vector_store %arg11[%swap3A, %swap3A_357], %select_n3A_356 {strides = array<i32>} : memref<8x128xf32, #tpu.memory_space<vmem>>, vector<8x128xf32>,
    return
  }
  func.func @transform_1(%arg0: i32, %arg1: memref<10001xi32, #tpu.memory_space<smem>>) -> (i32, i32) {
    %c0_i32 = arith.constant 0 : i32
    %c0_i32_0 = arith.constant 0 : i32
    return %arg0, %c0_i32 : i32, i32
  }
  func.func @transform_2(%arg0: i32, %arg1: memref<10001xi32, #tpu.memory_space<smem>>) -> (i32, i32) {
    %c0_i32 = arith.constant 0 : i32
    %c0_i32_0 = arith.constant 0 : i32
    return %arg0, %c0_i32 : i32, i32
  }
  func.func @transform_3(%arg0: i32, %arg1: memref<10001xi32, #tpu.memory_space<smem>>) -> (i32, i32) {
    %c0_i32 = arith.constant 0 : i32
    %c0_i32_0 = arith.constant 0 : i32
    %c0_i32_1 = arith.constant 0 : i32
    return %c0_i32, %c0_i32_0 : i32, i32
  }
  func.func @transform_4(%arg0: i32, %arg1: memref<10001xi32, #tpu.memory_space<smem>>) -> (i32, i32) {
    %c0_i32 = arith.constant 0 : i32
    %c0_i32_0 = arith.constant 0 : i32
    %c0_i32_1 = arith.constant 0 : i32
    return %c0_i32, %c0_i32_0 : i32, i32
  }
  func.func @transform_5(%arg0: i32, %arg1: memref<10001xi32, #tpu.memory_space<smem>>) -> (i32, i32) {
    %c0_i32 = arith.constant 0 : i32
    %c0_i32_0 = arith.constant 0 : i32
    %c0_i32_1 = arith.constant 0 : i32
    return %c0_i32, %c0_i32_0 : i32, i32
  }
  func.func @transform_6(%arg0: i32, %arg1: memref<10001xi32, #tpu.memory_space<smem>>) -> (i32, i32) {
    %c0_i32 = arith.constant 0 : i32
    %c0_i32_0 = arith.constant 0 : i32
    %c0_i32_1 = arith.constant 0 : i32
    return %c0_i32, %c0_i32_0 : i32, i32
  }
  func.func @transform_7(%arg0: i32, %arg1: memref<10001xi32, #tpu.memory_space<smem>>) -> (i32, i32) {
    %c0_i32 = arith.constant 0 : i32
    %c0_i32_0 = arith.constant 0 : i32
    %c0_i32_1 = arith.constant 0 : i32
    return %c0_i32, %c0_i32_0 : i32, i32
  }
  func.func @transform_8(%arg0: i32, %arg1: memref<10001xi32, #tpu.memory_space<smem>>) -> (i32, i32) {
    %c0_i32 = arith.constant 0 : i32
    %c0_i32_0 = arith.constant 0 : i32
    %c0_i32_1 = arith.constant 0 : i32
    return %c0_i32, %c0_i32_0 : i32, i32
  }
  func.func @transform_9(%arg0: i32, %arg1: memref<10001xi32, #tpu.memory_space<smem>>) -> (i32, i32) {
    %c0_i32 = arith.constant 0 : i32
    %c0_i32_0 = arith.constant 0 : i32
    return %arg0, %c0_i32 : i32, i32
  }
}

module attributes {stable_mosaic.version = 14 : i64} {
  func.func @_node_post_body(%arg0: i32, %arg1: memref<400x128xf32, #tpu.memory_space<vmem>>, %arg2: memref<400x128xf32, #tpu.memory_space<vmem>>, %arg3: memref<128x128xf32, #tpu.memory_space<vmem>>, %arg4: memref<128x128xf32, #tpu.memory_space<vmem>>, %arg5: memref<1x128xf32, #tpu.memory_space<vmem>>, %arg6: memref<128x128xf32, #tpu.memory_space<vmem>>, %arg7: memref<1x128xf32, #tpu.memory_space<vmem>>, %arg8: memref<128x128xf32, #tpu.memory_space<vmem>>, %arg9: memref<1x128xf32, #tpu.memory_space<vmem>>, %arg10: memref<128x128xf32, #tpu.memory_space<vmem>>, %arg11: memref<1x128xf32, #tpu.memory_space<vmem>>, %arg12: memref<400x128xf32, #tpu.memory_space<vmem>>) attributes {dimension_semantics = [#tpu.dimension_semantics<arbitrary>], iteration_bounds = array<i64: 25>, scalar_prefetch = 0 : i64, scratch_operands = 0 : i64, tpu.core_type = #tpu.core_type<tc>, window_params = [{transform_indices = @transform_0, window_bounds = array<i64: 400, 128>}, {transform_indices = @transform_1, window_bounds = array<i64: 400, 128>}, {pipeline_mode = #tpu.pipeline_mode<synchronous>, transform_indices = @transform_2, window_bounds = array<i64: 128, 128>}, {pipeline_mode = #tpu.pipeline_mode<synchronous>, transform_indices = @transform_3, window_bounds = array<i64: 128, 128>}, {pipeline_mode = #tpu.pipeline_mode<synchronous>, transform_indices = @transform_4, window_bounds = array<i64: 1, 128>}, {pipeline_mode = #tpu.pipeline_mode<synchronous>, transform_indices = @transform_5, window_bounds = array<i64: 128, 128>}, {pipeline_mode = #tpu.pipeline_mode<synchronous>, transform_indices = @transform_6, window_bounds = array<i64: 1, 128>}, {pipeline_mode = #tpu.pipeline_mode<synchronous>, transform_indices = @transform_7, window_bounds = array<i64: 128, 128>}, {pipeline_mode = #tpu.pipeline_mode<synchronous>, transform_indices = @transform_8, window_bounds = array<i64: 1, 128>}, {pipeline_mode = #tpu.pipeline_mode<synchronous>, transform_indices = @transform_9, window_bounds = array<i64: 128, 128>}, {pipeline_mode = #tpu.pipeline_mode<synchronous>, transform_indices = @transform_10, window_bounds = array<i64: 1, 128>}, {transform_indices = @transform_11, window_bounds = array<i64: 400, 128>}]} {
    %get3A = arith.constant 0 : index
    %get3A_0 = arith.constant 0 : index
    %get3A_1 = vector.load %arg2[%get3A, %get3A_0] : memref<400x128xf32, #tpu.memory_space<vmem>>, vector<400x128xf32>
    %get3A_2 = arith.constant 0 : index
    %get3A_3 = arith.constant 0 : index
    %get3A_4 = vector.load %arg1[%get3A_2, %get3A_3] : memref<400x128xf32, #tpu.memory_space<vmem>>, vector<400x128xf32>
    %get3A_5 = arith.constant 0 : index
    %get3A_6 = arith.constant 0 : index
    %get3A_7 = vector.load %arg3[%get3A_5, %get3A_6] : memref<128x128xf32, #tpu.memory_space<vmem>>, vector<128x128xf32>
    %dot_general3A = arith.constant dense<0.000000e+00> : vector<400x128xf32>
    %dot_general3A_8 = tpu.matmul %get3A_4, %get3A_7, %dot_general3A {dimension_numbers = #tpu.dot_dimension_numbers<[1], [0], [0], [1], [0, 0, 1, 1], [], []>, transpose_lhs_hint = false} : vector<400x128xf32>, vector<128x128xf32>, vector<400x128xf32> -> vector<400x128xf32>
    %add3A = arith.addf %get3A_1, %dot_general3A_8 : vector<400x128xf32>
    %max3A = arith.constant 0.000000e+00 : f32
    %max3A_9 = vector.broadcast %max3A : f32 to vector<400x128xf32>
    %max3A_10 = arith.maximumf %add3A, %max3A_9 : vector<400x128xf32>
    %get3A_11 = arith.constant 0 : index
    %get3A_12 = arith.constant 0 : index
    %get3A_13 = vector.load %arg4[%get3A_11, %get3A_12] : memref<128x128xf32, #tpu.memory_space<vmem>>, vector<128x128xf32>
    %dot_general3A_14 = arith.constant dense<0.000000e+00> : vector<400x128xf32>
    %dot_general3A_15 = tpu.matmul %max3A_10, %get3A_13, %dot_general3A_14 {dimension_numbers = #tpu.dot_dimension_numbers<[1], [0], [0], [1], [0, 0, 1, 1], [], []>, transpose_lhs_hint = false} : vector<400x128xf32>, vector<128x128xf32>, vector<400x128xf32> -> vector<400x128xf32>
    %get3A_16 = arith.constant 0 : index
    %get3A_17 = arith.constant 0 : index
    %get3A_18 = vector.load %arg5[%get3A_16, %get3A_17] : memref<1x128xf32, #tpu.memory_space<vmem>>, vector<1x128xf32>
    %add3A_19 = vector.broadcast %get3A_18 : vector<1x128xf32> to vector<400x128xf32>
    %add3A_20 = arith.addf %dot_general3A_15, %add3A_19 : vector<400x128xf32>
    %get3A_21 = arith.constant 0 : index
    %get3A_22 = arith.constant 0 : index
    %get3A_23 = vector.load %arg6[%get3A_21, %get3A_22] : memref<128x128xf32, #tpu.memory_space<vmem>>, vector<128x128xf32>
    %dot_general3A_24 = arith.constant dense<0.000000e+00> : vector<400x128xf32>
    %dot_general3A_25 = tpu.matmul %add3A_20, %get3A_23, %dot_general3A_24 {dimension_numbers = #tpu.dot_dimension_numbers<[1], [0], [0], [1], [0, 0, 1, 1], [], []>, transpose_lhs_hint = false} : vector<400x128xf32>, vector<128x128xf32>, vector<400x128xf32> -> vector<400x128xf32>
    %get3A_26 = arith.constant 0 : index
    %get3A_27 = arith.constant 0 : index
    %get3A_28 = vector.load %arg7[%get3A_26, %get3A_27] : memref<1x128xf32, #tpu.memory_space<vmem>>, vector<1x128xf32>
    %add3A_29 = vector.broadcast %get3A_28 : vector<1x128xf32> to vector<400x128xf32>
    %add3A_30 = arith.addf %dot_general3A_25, %add3A_29 : vector<400x128xf32>
    %max3A_31 = arith.constant 0.000000e+00 : f32
    %max3A_32 = vector.broadcast %max3A_31 : f32 to vector<400x128xf32>
    %max3A_33 = arith.maximumf %add3A_30, %max3A_32 : vector<400x128xf32>
    %get3A_34 = arith.constant 0 : index
    %get3A_35 = arith.constant 0 : index
    %get3A_36 = vector.load %arg8[%get3A_34, %get3A_35] : memref<128x128xf32, #tpu.memory_space<vmem>>, vector<128x128xf32>
    %dot_general3A_37 = arith.constant dense<0.000000e+00> : vector<400x128xf32>
    %dot_general3A_38 = tpu.matmul %max3A_33, %get3A_36, %dot_general3A_37 {dimension_numbers = #tpu.dot_dimension_numbers<[1], [0], [0], [1], [0, 0, 1, 1], [], []>, transpose_lhs_hint = false} : vector<400x128xf32>, vector<128x128xf32>, vector<400x128xf32> -> vector<400x128xf32>
    %get3A_39 = arith.constant 0 : index
    %get3A_40 = arith.constant 0 : index
    %get3A_41 = vector.load %arg9[%get3A_39, %get3A_40] : memref<1x128xf32, #tpu.memory_space<vmem>>, vector<1x128xf32>
    %add3A_42 = vector.broadcast %get3A_41 : vector<1x128xf32> to vector<400x128xf32>
    %add3A_43 = arith.addf %dot_general3A_38, %add3A_42 : vector<400x128xf32>
    %max3A_44 = arith.constant 0.000000e+00 : f32
    %max3A_45 = vector.broadcast %max3A_44 : f32 to vector<400x128xf32>
    %max3A_46 = arith.maximumf %add3A_43, %max3A_45 : vector<400x128xf32>
    %get3A_47 = arith.constant 0 : index
    %get3A_48 = arith.constant 0 : index
    %get3A_49 = vector.load %arg10[%get3A_47, %get3A_48] : memref<128x128xf32, #tpu.memory_space<vmem>>, vector<128x128xf32>
    %dot_general3A_50 = arith.constant dense<0.000000e+00> : vector<400x128xf32>
    %dot_general3A_51 = tpu.matmul %max3A_46, %get3A_49, %dot_general3A_50 {dimension_numbers = #tpu.dot_dimension_numbers<[1], [0], [0], [1], [0, 0, 1, 1], [], []>, transpose_lhs_hint = false} : vector<400x128xf32>, vector<128x128xf32>, vector<400x128xf32> -> vector<400x128xf32>
    %get3A_52 = arith.constant 0 : index
    %get3A_53 = arith.constant 0 : index
    %get3A_54 = vector.load %arg11[%get3A_52, %get3A_53] : memref<1x128xf32, #tpu.memory_space<vmem>>, vector<1x128xf32>
    %add3A_55 = vector.broadcast %get3A_54 : vector<1x128xf32> to vector<400x128xf32>
    %add3A_56 = arith.addf %dot_general3A_51, %add3A_55 : vector<400x128xf32>
    %swap3A = arith.constant 0 : index
    %swap3A_57 = arith.constant 0 : index
    %swap3A_58 = vector.load %arg12[%swap3A, %swap3A_57] : memref<400x128xf32, #tpu.memory_space<vmem>>, vector<400x128xf32>
    tpu.vector_store %arg12[%swap3A, %swap3A_57], %add3A_56 {strides = array<i32>} : memref<400x128xf32, #tpu.memory_space<vmem>>, vector<400x128xf32>,
    return
  }
  func.func @transform_0(%arg0: i32) -> (i32, i32) {
    %c0_i32 = arith.constant 0 : i32
    %c0_i32_0 = arith.constant 0 : i32
    return %arg0, %c0_i32 : i32, i32
  }
  func.func @transform_1(%arg0: i32) -> (i32, i32) {
    %c0_i32 = arith.constant 0 : i32
    %c0_i32_0 = arith.constant 0 : i32
    return %arg0, %c0_i32 : i32, i32
  }
  func.func @transform_2(%arg0: i32) -> (i32, i32) {
    %c0_i32 = arith.constant 0 : i32
    %c0_i32_0 = arith.constant 0 : i32
    %c0_i32_1 = arith.constant 0 : i32
    return %c0_i32, %c0_i32_0 : i32, i32
  }
  func.func @transform_3(%arg0: i32) -> (i32, i32) {
    %c0_i32 = arith.constant 0 : i32
    %c0_i32_0 = arith.constant 0 : i32
    %c0_i32_1 = arith.constant 0 : i32
    return %c0_i32, %c0_i32_0 : i32, i32
  }
  func.func @transform_4(%arg0: i32) -> (i32, i32) {
    %c0_i32 = arith.constant 0 : i32
    %c0_i32_0 = arith.constant 0 : i32
    %c0_i32_1 = arith.constant 0 : i32
    return %c0_i32, %c0_i32_0 : i32, i32
  }
  func.func @transform_5(%arg0: i32) -> (i32, i32) {
    %c0_i32 = arith.constant 0 : i32
    %c0_i32_0 = arith.constant 0 : i32
    %c0_i32_1 = arith.constant 0 : i32
    return %c0_i32, %c0_i32_0 : i32, i32
  }
  func.func @transform_6(%arg0: i32) -> (i32, i32) {
    %c0_i32 = arith.constant 0 : i32
    %c0_i32_0 = arith.constant 0 : i32
    %c0_i32_1 = arith.constant 0 : i32
    return %c0_i32, %c0_i32_0 : i32, i32
  }
  func.func @transform_7(%arg0: i32) -> (i32, i32) {
    %c0_i32 = arith.constant 0 : i32
    %c0_i32_0 = arith.constant 0 : i32
    %c0_i32_1 = arith.constant 0 : i32
    return %c0_i32, %c0_i32_0 : i32, i32
  }
  func.func @transform_8(%arg0: i32) -> (i32, i32) {
    %c0_i32 = arith.constant 0 : i32
    %c0_i32_0 = arith.constant 0 : i32
    %c0_i32_1 = arith.constant 0 : i32
    return %c0_i32, %c0_i32_0 : i32, i32
  }
  func.func @transform_9(%arg0: i32) -> (i32, i32) {
    %c0_i32 = arith.constant 0 : i32
    %c0_i32_0 = arith.constant 0 : i32
    %c0_i32_1 = arith.constant 0 : i32
    return %c0_i32, %c0_i32_0 : i32, i32
  }
  func.func @transform_10(%arg0: i32) -> (i32, i32) {
    %c0_i32 = arith.constant 0 : i32
    %c0_i32_0 = arith.constant 0 : i32
    %c0_i32_1 = arith.constant 0 : i32
    return %c0_i32, %c0_i32_0 : i32, i32
  }
  func.func @transform_11(%arg0: i32) -> (i32, i32) {
    %c0_i32 = arith.constant 0 : i32
    %c0_i32_0 = arith.constant 0 : i32
    return %arg0, %c0_i32 : i32, i32
  }
}

</mosaic_0001>

<sc_bundles>
// kernel: kernel.6.cloned.1.call-start
scs
__scs_entry_jumppad:
0x0: {  	(pc) =	sbr.rel $0x88, $3  }
0x1: {  	(tag) =	ssettag $0x0;
	lr =	simm.s32 $0x1  }
0x2: {  	[smem:$0x3F87] =	sst lr;
	_ =	strace $0xD0000000  }
0x3: {  	_ = 	snop  }
0x4: {  	_ = 	snop  }
0x5: {  	_ = 	snop  }
0x6: {  	_ = 	snop  }
0x7: {  	_ = 	snop  }
__scs_overlays_trampoline_lowered:
0x8: {  	[smem:$0x3F96] =	sst s0  }
0x9: {  	[smem:$0x3F97] =	sst s1  }
0xa: {  	[smem:$0x3F98] =	sst s2  }
0xb: {  	[smem:$0x3F99] =	sst s3  }
0xc: {  	[smem:$0x3F9A] =	sst s4  }
0xd: {  	[smem:$0x3F9B] =	sst s5  }
0xe: {  	[smem:$0x3F9C] =	sst s6  }
0xf: {  	[smem:$0x3F9D] =	sst s7  }
0x10: {  	[smem:$0x3F9E] =	sst s8  }
0x11: {  	[smem:$0x3F9F] =	sst s9;
	s0 =	simm.s32 @!p0 $0x0  }
0x12: {  	s1 =	sld [smem:$0x3F85];
	s0 =	simm.s32 @p0 $0x1  }
0x13: {  	[smem:$0x3FA0] =	sst s0;
	s0 =	simm.s32 @!p1 $0x0  }
0x14: {  	s2 =	sld [smem:$0x3F84];
	s0 =	simm.s32 @p1 $0x1  }
0x15: {  	[smem:$0x3FA1] =	sst s0;
	s0 =	simm.s32 @!p2 $0x0  }
0x16: {  	s3 =	sld [smem:$0x3FDB];
	s0 =	simm.s32 @p2 $0x1  }
0x17: {  	s4 =	simm.s32 $0x1BF5;
	[smem:$0x3FA3] =	sst s0  }
0x18: {  	s0 =	sld [smem:$0x3F86];
	_ =	swait.ge [sflag:s4], $0x0  }
0x19: {  	s7 =	sld [smem:$0x3F87]  }
0x1a: {  	s8 =	sadd.s32 $0xFFFFE003, lr  }
0x1b: {  	s9 =	sadd.s32 $0xFFFFFEF7, lr;
	s5 =	simm.s32 $0xFFFFFFFF;
	p2 =	slt.u32 s8, $0xFFFFF086  }
0x1c: {  	p1 =	slt.u32 s9, $0xF7A;
	s5 =	simm.s32 @!p2 $0x0  }
0x1d: {  	s5 =	simm.s32 @p1 $0x1;
	p0 =	seq.s32 s7, s2  }
0x1e: {  	s7 =	smul.u32 @!p0 $0xF7A, s2;
	p2 =	seq.s32 @!p0 s5, $0x0  }
0x1f: {  	s9 =	smul.u32 $0xF7A, s1;
	s8 =	simm.s32 @!p0 $0x1BF5;
	p2 =	por !p2, p0  }
0x20: {  	[sflag:s8] =	ssyncset.s32 @!p0 $0xFFFFF086;
	s6 =	sadd.s32 @!p0 s3, s7;
	s7 =	simm.s32 @!p0 $0x108  }
0x21: {  	s3 =	sadd.s32 s3, s9;
	s6 =	sadd.s32 @!p0 $0x88, s6;
	s7 =	simm.s32 @p2 $0x1082  }
0x22: {  	[simem:s7], [sflag:s8] =	dma.local @!p0 [hbm:s6], $0xF7A  }
0x23: {  	s9 =	sor.u32 $0xD0000000, s2;
	s6 =	simm.s32 $0x108;
	_ =	swait.ge @!p0 [sflag:s8], $0x0  }
0x24: {  	s3 =	sadd.s32 $0x88, s3;
	s6 =	simm.s32 @!p1 $0x1082;
	[sflag:s4] =	ssyncset.s32 $0xFFFFF086  }
0x25: {  	[simem:s6], [sflag:s4] =	dma.local [hbm:s3], $0xF7A  }
0x26: {  	[smem:$0x3F87] =	sst s1;
	(tag) =	ssettag s2;
	_ =	strace s9  }
0x27: {  	s1 =	sld [smem:$0x3F97]  }
0x28: {  	s2 =	sld [smem:$0x3F98]  }
0x29: {  	s4 =	sld [smem:$0x3F9A]  }
0x2a: {  	p0 =	seq.s32 s5, $0x0;
	s5 =	sld [smem:$0x3F9B]  }
0x2b: {  	s6 =	sld [smem:$0x3F9C]  }
0x2c: {  	s7 =	sld [smem:$0x3F9D]  }
0x2d: {  	s3 =	simm.s32 $0x108;
	s8 =	sld [smem:$0x3F9E]  }
0x2e: {  	s3 =	simm.s32 @!p0 $0x1082;
	s9 =	sld [smem:$0x3F9F]  }
0x2f: {  	lr =	sadd.s32 s0, s3;
	s0 =	sld [smem:$0x3F96]  }
0x30: {  	s3 =	sld [smem:$0x3F99]  }
0x31: {  	[smem:$0x3FA2] =	sst s10  }
0x32: {  	s10 =	sld [smem:$0x3FA0];
	_ =	sdelay $0x3  }
0x33: {  	p0 =	seq.s32 s10, $0x1;
	s10 =	sld [smem:$0x3FA2];
	_ =	sdelay $0x3  }
0x34: {  	[smem:$0x3FA2] =	sst s10  }
0x35: {  	s10 =	sld [smem:$0x3FA1];
	_ =	sdelay $0x3  }
0x36: {  	p1 =	seq.s32 s10, $0x1;
	s10 =	sld [smem:$0x3FA2];
	_ =	sdelay $0x3  }
0x37: {  	[smem:$0x3FA2] =	sst s10  }
0x38: {  	s10 =	sld [smem:$0x3FA3]  }
0x39: {  	_ = 	snop;
	(pc) =	sbr.ind lr, $3  }
0x3a: {  	_ = 	snop  }
0x3b: {  	_ = 	snop  }
0x3c: {  	p2 =	seq.s32 s10, $0x1;
	s10 =	sld [smem:$0x3FA2]  }
0x3d: {  	_ =	shalt  }
0x3e: {  	_ =	shalt  }
0x3f: {  	_ =	shalt  }
0x40: {  	_ =	shalt  }
0x41: {  	_ =	shalt  }
0x42: {  	_ =	shalt  }
0x43: {  	_ =	shalt  }
0x44: {  	_ =	shalt  }
0x45: {  	_ =	shalt  }
0x46: {  	_ =	shalt  }
0x47: {  	_ =	shalt  }
0x48: {  	_ =	shalt  }
0x49: {  	_ =	shalt  }
0x4a: {  	_ =	shalt  }
0x4b: {  	_ =	shalt  }
0x4c: {  	_ =	shalt  }
0x4d: {  	_ =	shalt  }
0x4e: {  	_ =	shalt  }
0x4f: {  	_ =	shalt  }
0x50: {  	_ =	shalt  }
0x51: {  	_ =	shalt  }
0x52: {  	_ =	shalt  }
0x53: {  	_ =	shalt  }
0x54: {  	_ =	shalt  }
0x55: {  	_ =	shalt  }
0x56: {  	_ =	shalt  }
0x57: {  	_ =	shalt  }
0x58: {  	_ =	shalt  }
0x59: {  	_ =	shalt  }
0x5a: {  	_ =	shalt  }
0x5b: {  	_ =	shalt  }
0x5c: {  	_ =	shalt  }
0x5d: {  	_ =	shalt  }
0x5e: {  	_ =	shalt  }
0x5f: {  	_ =	shalt  }
0x60: {  	_ =	shalt  }
0x61: {  	_ =	shalt  }
0x62: {  	_ =	shalt  }
0x63: {  	_ =	shalt  }
0x64: {  	_ =	shalt  }
0x65: {  	_ =	shalt  }
0x66: {  	_ =	shalt  }
0x67: {  	_ =	shalt  }
0x68: {  	_ =	shalt  }
0x69: {  	_ =	shalt  }
0x6a: {  	_ =	shalt  }
0x6b: {  	_ =	shalt  }
0x6c: {  	_ =	shalt  }
0x6d: {  	_ =	shalt  }
0x6e: {  	_ =	shalt  }
0x6f: {  	_ =	shalt  }
0x70: {  	_ =	shalt  }
0x71: {  	_ =	shalt  }
0x72: {  	_ =	shalt  }
0x73: {  	_ =	shalt  }
0x74: {  	_ =	shalt  }
0x75: {  	_ =	shalt  }
0x76: {  	_ =	shalt  }
0x77: {  	_ =	shalt  }
0x78: {  	_ =	shalt  }
0x79: {  	_ =	shalt  }
0x7a: {  	_ =	shalt  }
0x7b: {  	_ =	shalt  }
0x7c: {  	_ =	shalt  }
0x7d: {  	_ =	shalt  }
0x7e: {  	_ =	shalt  }
0x7f: {  	_ =	shalt  }
0x80: {  	_ =	shalt  }
0x81: {  	_ =	shalt  }
0x82: {  	_ =	shalt  }
0x83: {  	_ =	shalt  }
0x84: {  	_ =	shalt  }
0x85: {  	_ =	shalt  }
0x86: {  	_ =	shalt  }
0x87: {  	_ =	shalt  }
.Lfunc_end0:
.L_simem_size_0:
called_computation_lowered:
.L_overlay_start_0:
0x88: {  	s2 =	sld [smem:$0x3FD9]  }
0x89: {  	s3 =	sld [smem:$0x3FFE];
	_ =	sdelay $0x1  }
0x8a: {  	s1 =	srdreg.scid  }
0x8b: {  	s0 =	sand.u32 $0x1, s1  }
0x8c: {  	s16 =	sshll.u32 s0, $0xA;
	s2 =	sadd.s32 s3, s2  }
0x8d: {  	s2 =	sadd.s32 s2, s16  }
0x8e: {  	[smem:$0x3FAE] =	sst s2  }
0x8f: {  	_ = 	snop  }
0x90: {  	(tm) =	ssettm $0x1  }
0x91: {  	s17 =	sld [smem:$0x3FFB];
	_ =	sdelay $0x3  }
0x92: {  	_ =	strace s17  }
0x93: {  	s2 =	sld [smem:$0x3FFC];
	_ =	sdelay $0x3  }
0x94: {  	_ =	strace s2  }
0x95: {  	s2 =	sld [smem:$0x3FFD];
	_ =	sdelay $0x3  }
0x96: {  	_ =	strace s2  }
0x97: {  	_ =	strace $0x8FFFFFFF  }
0x98: {  	s18 =	sld [smem:$0x3FDB];
	_ =	sdelay $0x1  }
0x99: {  	s19 =	simm.s32 $_scs_section_size  }
0x9a: {  	s4 =	simm.s32 $_size__tile_overlayer_lowered;
	s5 =	simm.s32 $_tile_overlayer_lowered  }
0x9b: {  	s22 =	simm.s32 $0x1BFF;
	s21 =	sshll.u32 s5, $0x1;
	s2 =	sadd.s32 s19, s18  }
0x9c: {  	s6 =	simm.s32 $0x0;
	s20 =	sshll.u32 s4, $0x1;
	s4 =	sadd.s32 s21, s2  }
0x9d: {  	[timem:s6], [sflag:s22] =	dma.local [hbm:s4], s20  }
0x9e: {  	_ =	swait.ge [sflag:s22], s20  }
0x9f: {  	s3 =	ssub.s32 $0x0, s20;
	[sflag:s22] =	ssyncset.done $0x0  }
0xa0: {  	[sflag:s22] =	ssyncadd.s32 s3;
	_ =	sdelay $0x1  }
0xa1: {  	s23 =	simm.s32 $0x1B8B  }
0xa2: {  	_ =	swait.ge [sflag:s23], $0x1  }
0xa3: {  	[sflag:s23] =	ssyncset.done $0x0  }
0xa4: {  	s25 =	simm.s32 $0x1B8E;
	s24 =	sld [smem:$0x3FFE];
	[sflag:s23] =	ssyncadd.s32 $0xFFFFFFFF  }
0xa5: {  	s26 =	simm.s32 $execute0_lowered;
	[smem:$0x3FD2] =	sst s25  }
0xa6: {  	s4 =	sshll.u32 s26, $0x1;
	_ =	strace $0x80000046;
	[dreg:$0x1] =	wrdreg $0xFFFFFFFF  }
0xa7: {  	s28 =	simm.s32 $_size_execute0_lowered;
	s2 =	sadd.s32 s2, s4;
	[dreg:$0x0] =	wrdreg $0x0  }
0xa8: {  	s4 =	sshll.u32 s28, $0x1;
	[dreg:$0x2] =	wrdreg s2  }
0xa9: {  	[dreg:$0x3] =	wrdreg s4  }
0xaa: {  	[dreg:$0x4] =	wrdreg $0xC0  }
0xab: {  	_ =	task [dreg:s6], $0x5FFFF  }
0xac: {  	[dreg:$0x1] =	wrdreg $0xFFFFFFFF  }
0xad: {  	[dreg:$0x0] =	wrdreg $0x60  }
0xae: {  	[dreg:$0x2] =	wrdreg s24  }
0xaf: {  	[dreg:$0x3] =	wrdreg $0x9  }
0xb0: {  	_ =	task.clear_ibuf [dreg:s6], $0x4FFFF;
	_ =	strace $0x90000046  }
0xb1: {  	s29 =	simm.s32 $0x9;
	_ =	strace $0x80000048  }
0xb2: {  	_ =	swait.ge [sflag:s29], $0x1  }
0xb3: {  	[sflag:s29] =	ssyncadd.s32 $0xFFFFFFFF  }
0xb4: {  	_ =	strace $0x90000048  }
0xb5: {  	_ =	sfence  }
0xb6: {  	s30 =	sld [smem:$0x0];
	_ =	sdelay $0x2  }
0xb7: {  	s31 =	sshll.u32 s1, $0xD;
	s1 =	sshrl.u32 s1, $0x2  }
0xb8: {  	s3 =	sand.u32 $0x4000, s31;
	s1 =	sadd.s32 s1, s30  }
0xb9: {  	s0 =	sor.u32 s3, s0;
	s1 =	sshll.u32 s1, $0x11  }
0xba: {  	s0 =	sor.u32 s1, s0  }
0xbb: {  	s0 =	sadd.s32 $0x8F2B, s0  }
0xbc: {  	[sflag:s0] =	ssyncadd.remote.s32 $0x1  }
0xbd: {  	_ =	sfence.sel $0xFFFF  }
0xbe: {  	[dreg:$0x0] =	wrdreg $0xFFFFFFFF;
	(pc) =	sbr.abs _section_cstart, $3  }
0xbf: {  	[dreg:$0x1] =	wrdreg $0xFFFFFFFF  }
0xc0: {  	_ =	task.clear_ibuf [dreg:s6], $0x2FFFF;
	_ =	strace $0x9FFFFFFF  }
0xc1: {  	(tm) =	ssettm $0x7FFFFFFF  }
tec
execute0_lowered:
.L_overlay_start_1:
0x0: {  	(tag) =	ssettag $0x1  }
0x1: {  	s1 =	srdreg.scid  }
0x2: {  	s0 =	stileid.u32;
	s4 =	rddreg [dreg:$0x0]  }
0x3: {  	s2 =	simm.s32 $0x0;
	s9 =	simm.s32 $0x3000;
	s10 =	simm.s32 $0x3800  }
0x4: {  	s11 =	simm.s32 $0x4000;
	s12 =	simm.s32 $0x4800;
	s13 =	simm.s32 $0x5000  }
0x5: {  	s14 =	simm.s32 $0x5800;
	s15 =	simm.s32 $0x6000;
	s16 =	simm.s32 $0x6800  }
0x6: {  	s17 =	simm.s32 $0x7000;
	s18 =	simm.s32 $0x7800;
	s19 =	simm.s32 $0x8000  }
0x7: {  	s20 =	simm.s32 $0x8800;
	s21 =	simm.s32 $0x9000;
	s22 =	simm.s32 $0x9800  }
0x8: {  	s23 =	simm.s32 $0xA000;
	s24 =	simm.s32 $0x1;
	s25 =	simm.s32 $0x0  }
0x9: {  	s5 =	sand.u32 $0x1, s1;
	s3 =	sshll.u32 s0, $0x1;
	s1 =	rddreg [dreg:$0x1]  }
0xa: {  	[smem:$0x7FF] =	sst s2;
	s7 =	smul.u32 $0x9E000, s0;
	s3 =	sor.u32 s5, s3  }
0xb: {  	_ =	strace $0x80000047;
	s8 =	ssub.s32 $0x2, s5;
	s5 =	smul.u32 $0x4F000, s5  }
0xc: {  	s6 =	smul.u32 $0x500, s3;
	s7 =	sadd.s32 s7, s4;
	s30 =	sshrl.u32 s8, $0x1  }
0xd: {  	v2 =	vlaneseq.u32;
	s3 =	sadd.s32 $0x4A600, s4;
	s8 =	ssub.s32 s8, s30;
	s31 =	sadd.s32 s5, s7  }
0xe: {  	vm0 =	vmmov $0xffff;
	v1 =	vshrl.u32 v2, $0x3;
	s7 =	simm.s32 $0x2;
	s6 =	sadd.s32 s6, s4;
	s5 =	smax.u32 s8, $0x1  }
0xf: {  	v0 =	vand.u32 $0x7, v2;
	v2 =	vor.u32 $0x8, v2;
	v1 =	vmul.u32 $0x8, v1;
	s8 =	simm.s32 $0x2800;
	s4 =	sadd.s32 $0x40600, s6;
	s6 =	sadd.s32 $0xBFA00, s31  }
.LBB2_1:
0x10: {  	[tilespmem:s2], [sflag:$0x2] =	stream.linear.gather [hbm4b:s4+s2], $0x2780, $0x38;
	[tilespmem:$0xA800] =	vst v63  }
0x11: {  	_ =	swait.ge [sflag:s7], $0x2780  }
0x12: {  	[sflag:s7] =	ssyncset.done $0x0  }
0x13: {  	s26 =	simm.s32 $0x40;
	s28 =	simm.s32 $0x0;
	[sflag:s7] =	ssyncadd.s32 $0xFFFFD880  }
.LBB2_2:
0x14: {  	v3 =	vld [tilespmem:s26+$0xFFFFFFC0];
	_ =	sdelay $0x4  }
0x15: {  	v4 =	vshll.u32 v3, $0x1  }
0x16: {  	v3 =	vand.u32 $0x7, v3;
	v4 =	vand.u32 $0xFFFFFFF0, v4  }
0x17: {  	v3 =	vor.u32 v3, v4  }
0x18: {  	v4 =	vperm.xlane v3, v0;
	_ =	sdelay $0x1  }
0x19: {  	v3 =	vperm.xlane v3, v2;
	v4 =	vadd.s32 v1, v4;
	_ =	sdelay $0x1  }
0x1a: {  	v3 =	vadd.s32 v1, v3;
	_ =	sdelay $0x2  }
0x1b: {  	[tilespmem:s8], [sflag:$0x1] =	stream.indirect_vreg.gather [hbm4b:s3+s2], $0x80, v4, vm0, $0xb8;
	[tilespmem:$0xA800] =	vst v63  }
0x1c: {  	_ = 	snop  }
0x1d: {  	[tilespmem:s9], [sflag:$0x1] =	stream.indirect_vreg.gather [hbm4b:s3+s2], $0x80, v3, vm0, $0xb8;
	[tilespmem:$0xA800] =	vst v63  }
0x1e: {  	v3 =	vld [tilespmem:s26+$0xFFFFFFD0];
	_ =	sdelay $0x4  }
0x1f: {  	v57 =	vshll.u32 v3, $0x1  }
0x20: {  	v3 =	vand.u32 $0x7, v3;
	v4 =	vand.u32 $0xFFFFFFF0, v57  }
0x21: {  	v3 =	vor.u32 v3, v4  }
0x22: {  	v4 =	vperm.xlane v3, v0;
	_ =	sdelay $0x1  }
0x23: {  	v3 =	vperm.xlane v3, v2;
	v4 =	vadd.s32 v1, v4;
	_ =	sdelay $0x1  }
0x24: {  	v3 =	vadd.s32 v1, v3;
	_ =	sdelay $0x2  }
0x25: {  	[tilespmem:s10], [sflag:$0x1] =	stream.indirect_vreg.gather [hbm4b:s3+s2], $0x80, v4, vm0, $0xb8;
	[tilespmem:$0xA800] =	vst v63  }
0x26: {  	_ = 	snop  }
0x27: {  	[tilespmem:s11], [sflag:$0x1] =	stream.indirect_vreg.gather [hbm4b:s3+s2], $0x80, v3, vm0, $0xb8;
	[tilespmem:$0xA800] =	vst v63  }
0x28: {  	v3 =	vld [tilespmem:s26+$0xFFFFFFE0];
	_ =	sdelay $0x4  }
0x29: {  	v58 =	vshll.u32 v3, $0x1  }
0x2a: {  	v3 =	vand.u32 $0x7, v3;
	v4 =	vand.u32 $0xFFFFFFF0, v58  }
0x2b: {  	v3 =	vor.u32 v3, v4  }
0x2c: {  	v4 =	vperm.xlane v3, v0;
	_ =	sdelay $0x1  }
0x2d: {  	v3 =	vperm.xlane v3, v2;
	v4 =	vadd.s32 v1, v4;
	_ =	sdelay $0x1  }
0x2e: {  	v3 =	vadd.s32 v1, v3;
	_ =	sdelay $0x2  }
0x2f: {  	[tilespmem:s12], [sflag:$0x1] =	stream.indirect_vreg.gather [hbm4b:s3+s2], $0x80, v4, vm0, $0xb8;
	[tilespmem:$0xA800] =	vst v63  }
0x30: {  	_ = 	snop  }
0x31: {  	[tilespmem:s13], [sflag:$0x1] =	stream.indirect_vreg.gather [hbm4b:s3+s2], $0x80, v3, vm0, $0xb8;
	[tilespmem:$0xA800] =	vst v63  }
0x32: {  	v3 =	vld [tilespmem:s26+$0xFFFFFFF0];
	_ =	sdelay $0x4  }
0x33: {  	v59 =	vshll.u32 v3, $0x1  }
0x34: {  	v3 =	vand.u32 $0x7, v3;
	v4 =	vand.u32 $0xFFFFFFF0, v59  }
0x35: {  	v3 =	vor.u32 v3, v4  }
0x36: {  	v4 =	vperm.xlane v3, v0;
	_ =	sdelay $0x1  }
0x37: {  	v3 =	vperm.xlane v3, v2;
	v4 =	vadd.s32 v1, v4;
	_ =	sdelay $0x1  }
0x38: {  	v3 =	vadd.s32 v1, v3;
	_ =	sdelay $0x2  }
0x39: {  	[tilespmem:s14], [sflag:$0x1] =	stream.indirect_vreg.gather [hbm4b:s3+s2], $0x80, v4, vm0, $0xb8;
	[tilespmem:$0xA800] =	vst v63  }
0x3a: {  	_ = 	snop  }
0x3b: {  	[tilespmem:s15], [sflag:$0x1] =	stream.indirect_vreg.gather [hbm4b:s3+s2], $0x80, v3, vm0, $0xb8;
	[tilespmem:$0xA800] =	vst v63  }
0x3c: {  	v3 =	vld [tilespmem:s26+$0x0];
	_ =	sdelay $0x4  }
0x3d: {  	v60 =	vshll.u32 v3, $0x1  }
0x3e: {  	v3 =	vand.u32 $0x7, v3;
	v4 =	vand.u32 $0xFFFFFFF0, v60  }
0x3f: {  	v3 =	vor.u32 v3, v4  }
0x40: {  	v4 =	vperm.xlane v3, v0;
	_ =	sdelay $0x1  }
0x41: {  	v3 =	vperm.xlane v3, v2;
	v4 =	vadd.s32 v1, v4;
	_ =	sdelay $0x1  }
0x42: {  	v3 =	vadd.s32 v1, v3;
	_ =	sdelay $0x2  }
0x43: {  	[tilespmem:s16], [sflag:$0x1] =	stream.indirect_vreg.gather [hbm4b:s3+s2], $0x80, v4, vm0, $0xb8;
	[tilespmem:$0xA800] =	vst v63  }
0x44: {  	_ = 	snop  }
0x45: {  	[tilespmem:s17], [sflag:$0x1] =	stream.indirect_vreg.gather [hbm4b:s3+s2], $0x80, v3, vm0, $0xb8;
	[tilespmem:$0xA800] =	vst v63  }
0x46: {  	v3 =	vld [tilespmem:s26+$0x10];
	_ =	sdelay $0x4  }
0x47: {  	v61 =	vshll.u32 v3, $0x1  }
0x48: {  	v3 =	vand.u32 $0x7, v3;
	v4 =	vand.u32 $0xFFFFFFF0, v61  }
0x49: {  	v3 =	vor.u32 v3, v4  }
0x4a: {  	v4 =	vperm.xlane v3, v0;
	_ =	sdelay $0x1  }
0x4b: {  	v3 =	vperm.xlane v3, v2;
	v4 =	vadd.s32 v1, v4;
	_ =	sdelay $0x1  }
0x4c: {  	v3 =	vadd.s32 v1, v3;
	_ =	sdelay $0x2  }
0x4d: {  	[tilespmem:s18], [sflag:$0x1] =	stream.indirect_vreg.gather [hbm4b:s3+s2], $0x80, v4, vm0, $0xb8;
	[tilespmem:$0xA800] =	vst v63  }
0x4e: {  	_ = 	snop  }
0x4f: {  	[tilespmem:s19], [sflag:$0x1] =	stream.indirect_vreg.gather [hbm4b:s3+s2], $0x80, v3, vm0, $0xb8;
	[tilespmem:$0xA800] =	vst v63  }
0x50: {  	v3 =	vld [tilespmem:s26+$0x20];
	_ =	sdelay $0x4  }
0x51: {  	v62 =	vshll.u32 v3, $0x1  }
0x52: {  	v3 =	vand.u32 $0x7, v3;
	v4 =	vand.u32 $0xFFFFFFF0, v62  }
0x53: {  	v3 =	vor.u32 v3, v4  }
0x54: {  	v4 =	vperm.xlane v3, v0;
	_ =	sdelay $0x1  }
0x55: {  	v3 =	vperm.xlane v3, v2;
	v4 =	vadd.s32 v1, v4;
	_ =	sdelay $0x1  }
0x56: {  	v3 =	vadd.s32 v1, v3;
	_ =	sdelay $0x2  }
0x57: {  	[tilespmem:s20], [sflag:$0x1] =	stream.indirect_vreg.gather [hbm4b:s3+s2], $0x80, v4, vm0, $0xb8;
	[tilespmem:$0xA800] =	vst v63  }
0x58: {  	_ = 	snop  }
0x59: {  	[tilespmem:s21], [sflag:$0x1] =	stream.indirect_vreg.gather [hbm4b:s3+s2], $0x80, v3, vm0, $0xb8;
	[tilespmem:$0xA800] =	vst v63  }
0x5a: {  	v3 =	vld [tilespmem:s26+$0x30];
	_ =	sdelay $0x4  }
0x5b: {  	v63 =	vshll.u32 v3, $0x1  }
0x5c: {  	v3 =	vand.u32 $0x7, v3;
	v4 =	vand.u32 $0xFFFFFFF0, v63  }
0x5d: {  	v3 =	vor.u32 v3, v4  }
0x5e: {  	v4 =	vperm.xlane v3, v0;
	_ =	sdelay $0x1  }
0x5f: {  	v3 =	vperm.xlane v3, v2;
	v4 =	vadd.s32 v1, v4;
	_ =	sdelay $0x1  }
0x60: {  	v3 =	vadd.s32 v1, v3;
	_ =	sdelay $0x2  }
0x61: {  	[tilespmem:s22], [sflag:$0x1] =	stream.indirect_vreg.gather [hbm4b:s3+s2], $0x80, v4, vm0, $0xb8;
	[tilespmem:$0xA800] =	vst v63  }
0x62: {  	_ = 	snop  }
0x63: {  	[tilespmem:s23], [sflag:$0x1] =	stream.indirect_vreg.gather [hbm4b:s3+s2], $0x80, v3, vm0, $0xb8;
	[tilespmem:$0xA800] =	vst v63  }
0x64: {  	_ =	swait.ge [sflag:s24], $0x8000  }
0x65: {  	p0 =	sne.s32 s28, $0x4E000;
	[sflag:s24] =	ssyncset.done $0x0  }
.Ltmp0:
0x66: {  	s29 =	sadd.s32 s28, s6;
	[sflag:s24] =	ssyncadd.s32 $0xFFFF8000;
	(pc) =	sbr.rel @p0 .LBB2_2-.Ltmp0, $4  }
0x67: {  	[hbm4b:s29+s2] =	stream.linear.scatter [tilespmem:s8], [sflag:$0x2], $0x8000, $0x38;
	[tilespmem:$0xA800] =	vst v63  }
0x68: {  	_ =	swait.ge [sflag:s7], $0x8000  }
0x69: {  	[sflag:s7] =	ssyncset.done $0x0  }
0x6a: {  	s28 =	sadd.s32 $0x1000, s28;
	s26 =	sadd.s32 $0x80, s26;
	[sflag:s7] =	ssyncadd.s32 $0xFFFF8000  }
0x6b: {  	s25 =	sadd.s32 $0x1, s25  }
0x6c: {  	p0 =	sne.s32 s25, s5  }
.Ltmp1:
0x6d: {  	_ = 	snop;
	(pc) =	sbr.rel @p0 .LBB2_1-.Ltmp1, $1  }
0x6e: {  	_ =	sdelay $0x3  }
0x6f: {  	_ =	sfence.sel $0x180000  }
0x70: {  	[bflag:$0x0] =	sbarrier.arrive $0xFFFF  }
0x71: {  	p0 =	sne.s32 s0, $0x0;
	_ =	strace $0x90000047  }
0x72: {  	s0 =	sadd.s32 @!p0 $0x100000, s1;
	[bflag:$0x2] =	sbarrier.arrive $0xFFFF  }
0x73: {  	[sflag:s0] =	ssyncadd.tile.s32 @!p0 $0x1;
	_ =	shalt  }
.Lfunc_end2:
_tile_overlayer_lowered:
.L_overlay_start_2:
0x74: {  	(tag) =	ssettag $0x2  }
0x75: {  	s0 =	rddreg [dreg:$0x0];
	s2 =	stileid.u32  }
0x76: {  	s1 =	rddreg [dreg:$0x1];
	p0 =	sne.s32 s2, $0x0  }
0x77: {  	s3 =	rddreg [dreg:$0x2];
	[bflag:$0x3] =	sbarrier.arrive $0xFFFF;
	s2 =	simm.s32 @!p0 $0x1C02  }
0x78: {  	[timem:s3], [sflag:s2] =	dma.local @!p0 [hbm:s0], s1  }
0x79: {  	s0 =	simm.s32 @!p0 $0x2  }
0x7a: {  	_ =	swait.ge @!p0 [sflag:s0], s1  }
0x7b: {  	s1 =	ssub.s32 @!p0 $0x0, s1;
	[sflag:s0] =	ssyncset.done @!p0 $0x0  }
0x7c: {  	[sflag:s0] =	ssyncadd.s32 @!p0 s1  }
0x7d: {  	[bflag:$0x3] =	sbarrier.arrive $0xFFFF  }
0x7e: {  	_ =	shalt  }

</sc_bundles>
